<compile_context>
chip_gen: v7x
topology: tpu7x:2x2x1
jax: 0.10.2.dev20260603
libtpu: 0.0.44.dev20260713+nightly
codegen_flags: <defaults>
</compile_context>

<pallas_src>
import functools

import jax
import jax.numpy as jnp
from jax import lax
from jax.experimental import pallas as pl
from jax.experimental.pallas import tpu as pltpu
from jax.experimental.pallas import tpu_sc as plsc

_NSEG = 128
_D = 128
_EN = 8192
_EL = 4096
_R = 512
_NT = _EN // _R
_CH = 128
_NEG = float("-inf")


def _sc_gather(h, node_edge, label_edge):
    info = plsc.get_sparse_core_info()
    nc, ns = info.num_cores, info.num_subcores
    nw = nc * ns
    n_chunks_n = _EN // (_CH * nw)
    n_chunks_l = _EL // (_CH * nw)

    mesh = plsc.VectorSubcoreMesh(core_axis_name="c", subcore_axis_name="s")

    @functools.partial(
        pl.kernel,
        out_type=(
            jax.ShapeDtypeStruct((2, _EN, _D), jnp.float32),
            jax.ShapeDtypeStruct((2, _EL, _D), jnp.float32),
        ),
        mesh=mesh,
        scratch_types=[
            pltpu.VMEM((_CH,), jnp.int32),
            pltpu.VMEM((_CH, _D), jnp.float32),
            pltpu.SemaphoreType.DMA,
        ],
    )
    def k(h_hbm, ne_hbm, le_hbm, gn_hbm, gl_hbm, idx_v, rows_v, sem):
        wid = lax.axis_index("s") * nc + lax.axis_index("c")
        for j in range(2):
            for c in range(n_chunks_n):
                base = pl.multiple_of((wid * n_chunks_n + c) * _CH, _CH)
                pltpu.sync_copy(ne_hbm.at[j, pl.ds(base, _CH)], idx_v)
                pltpu.async_copy(h_hbm.at[idx_v], rows_v, sem).wait()
                pltpu.sync_copy(rows_v, gn_hbm.at[j, pl.ds(base, _CH)])
            for c in range(n_chunks_l):
                base = pl.multiple_of((wid * n_chunks_l + c) * _CH, _CH)
                pltpu.sync_copy(le_hbm.at[j, pl.ds(base, _CH)], idx_v)
                pltpu.async_copy(h_hbm.at[idx_v], rows_v, sem).wait()
                pltpu.sync_copy(rows_v, gl_hbm.at[j, pl.ds(base, _CH)])

    return k(h, node_edge, label_edge)


def _tc_body(gn_ref, gl_ref, lab_ref, nst_ref, nsf_ref, nsc_ref,
             out_ref, acc1, m2):
    i = pl.program_id(0)
    nt = pl.num_programs(0)
    f32 = jnp.float32

    a = (gn_ref[0] + gn_ref[1]) * 0.5
    b = (gl_ref[0] + gl_ref[1]) * 0.5
    a2 = jnp.sum(a * a, axis=1, keepdims=True)
    ones = jnp.ones((1, _D), f32)
    b2 = lax.dot_general(ones, b * b, (((1,), (1,)), ((), ())),
                         preferred_element_type=f32)
    ab = lax.dot_general(a, b, (((1,), (1,)), ((), ())),
                         preferred_element_type=f32)
    d2 = jnp.maximum(a2 + b2 - 2.0 * ab, 0.0)
    edge = -jnp.sqrt(d2)

    lab = lab_ref[...]
    iota_l = lax.broadcasted_iota(jnp.int32, (1, _EL), 1)

    scan = edge
    d = 1
    while d < _EL:
        labr = pltpu.roll(lab, d, axis=1)
        valid = (lab == labr) & (iota_l >= d)
        cand = jnp.where(valid, pltpu.roll(scan, d, axis=1), _NEG)
        scan = jnp.maximum(scan, cand)
        d *= 2

    labn = pltpu.roll(lab, _EL - 1, axis=1)
    is_last = (lab != labn) | (iota_l >= _EL - 1)
    gseg_l = lax.broadcasted_iota(jnp.int32, (_NSEG, _EL), 0)
    g1t = jnp.where((gseg_l == lab) & is_last, 1.0, 0.0)
    m1 = lax.dot_general(scan, g1t, (((1,), (1,)), ((), ())),
                         preferred_element_type=f32)

    nst = nst_ref[0]
    eqn = lax.broadcasted_iota(jnp.int32, (_NSEG, _R), 0) == nst
    eqnf = eqn.astype(f32)
    contrib = jnp.dot(eqnf, m1, preferred_element_type=f32)

    @pl.when(i == 0)
    def _():
        acc1[...] = contrib

    @pl.when(i > 0)
    def _():
        acc1[...] = acc1[...] + contrib

    nsc = nsc_ref[...]
    iota_s = lax.broadcasted_iota(jnp.int32, (_R, 1), 0)
    scan2 = edge
    d = 1
    while d < _R:
        nscr = pltpu.roll(nsc, d, axis=0)
        valid2 = (nsc == nscr) & (iota_s >= d)
        cand2 = jnp.where(valid2, pltpu.roll(scan2, d, axis=0), _NEG)
        scan2 = jnp.maximum(scan2, cand2)
        d *= 2

    nstn = pltpu.roll(nst, _R - 1, axis=1)
    iota_r = lax.broadcasted_iota(jnp.int32, (1, _R), 1)
    is_last2 = (nst != nstn) | (iota_r >= _R - 1)
    g2 = jnp.where(eqn & is_last2, 1.0, 0.0)
    ext = jnp.dot(g2, scan2, preferred_element_type=f32)
    present = jnp.sum(eqnf, axis=1, keepdims=True) > 0.0
    extm = jnp.where(present, ext, _NEG)

    @pl.when(i == 0)
    def _():
        m2[...] = extm

    @pl.when(i > 0)
    def _():
        m2[...] = jnp.maximum(m2[...], extm)

    @pl.when(i == nt - 1)
    def _():
        nsf = nsf_ref[...]
        eqf = (lax.broadcasted_iota(jnp.int32, (_NSEG, _EN), 0) == nsf
               ).astype(f32)
        cn = jnp.sum(eqf, axis=1, keepdims=True)
        out1 = acc1[...] / jnp.maximum(cn, 1.0)
        m2v = m2[...]
        m2m = jnp.where(m2v == _NEG, 0.0, m2v)
        eql = (lax.broadcasted_iota(jnp.int32, (_NSEG, _EL), 0) == lab
               ).astype(f32)
        cl = jnp.sum(eql, axis=1, keepdims=True)
        wlt = eql / jnp.maximum(cl, 1.0)
        out2 = lax.dot_general(m2m, wlt, (((1,), (1,)), ((), ())),
                               preferred_element_type=f32)
        out_ref[...] = (out1 + out2) * 0.5


def _tc_call(gn, gl, lab, nst3, nsf, nsc, interpret=False):
    return pl.pallas_call(
        _tc_body,
        grid=(_NT,),
        in_specs=[
            pl.BlockSpec((2, _R, _D), lambda i: (0, i, 0)),
            pl.BlockSpec((2, _EL, _D), lambda i: (0, 0, 0)),
            pl.BlockSpec((1, _EL), lambda i: (0, 0)),
            pl.BlockSpec((1, 1, _R), lambda i: (i, 0, 0)),
            pl.BlockSpec((1, _EN), lambda i: (0, 0)),
            pl.BlockSpec((_R, 1), lambda i: (i, 0)),
        ],
        out_specs=pl.BlockSpec((_NSEG, _NSEG), lambda i: (0, 0)),
        out_shape=jax.ShapeDtypeStruct((_NSEG, _NSEG), jnp.float32),
        scratch_shapes=[
            pltpu.VMEM((_NSEG, _NSEG), jnp.float32),
            pltpu.VMEM((_NSEG, _EL), jnp.float32),
        ],
        interpret=interpret,
    )(gn, gl, lab, nst3, nsf, nsc)


def kernel(h, node_edge, node_seg, label_edge, label_seg):
    gn, gl = _sc_gather(h, node_edge, label_edge)
    lab = label_seg.reshape(1, _EL)
    nst3 = node_seg.reshape(_NT, 1, _R)
    nsf = node_seg.reshape(1, _EN)
    nsc = node_seg.reshape(_EN, 1)
    return _tc_call(gn, gl, lab, nst3, nsf, nsc)

# --- scband reference (transcript-rebuilt; emitter-appended) ---
"""Pipeline reference for scband-explainer-1846835938181 (READ-ONLY COPY).

The authoritative reference and input builder live on the scoring server;
editing this copy changes nothing except your own understanding.
"""

import jax, jax.numpy as jnp
import numpy as np

N_NODES = 50000
NHID = 128
E_N = 8192
E_L = 4096
N_SEG = 128


def setup_inputs(seed: int = 0) -> dict:
    key = jax.random.key(seed)
    k1, k2, k3, k4, k5 = jax.random.split(key, 5)
    h = jax.random.normal(k1, (N_NODES, NHID), dtype=jnp.float32)
    node_edge = jax.random.randint(k2, (2, E_N), 0, N_NODES, dtype=jnp.int32)
    node_seg = jnp.sort(jax.random.randint(k3, (E_N,), 0, N_SEG, dtype=jnp.int32))
    label_edge = jax.random.randint(k4, (2, E_L), 0, N_NODES, dtype=jnp.int32)
    label_seg = jnp.sort(jax.random.randint(k5, (E_L,), 0, N_SEG, dtype=jnp.int32))
    return {"h": h, "node_edge": node_edge, "node_seg": node_seg, "label_edge": label_edge, "label_seg": label_seg}


def _cdist(a, b):
    a2 = jnp.sum(a * a, axis=1)[:, None]
    b2 = jnp.sum(b * b, axis=1)[None, :]
    d2 = jnp.clip(a2 + b2 - 2.0 * (a @ b.T), 0.0, None)
    return jnp.sqrt(d2)


def _segment_max0(data, ids, n):
    m = jax.ops.segment_max(data, ids, n)
    return jnp.where(jnp.isneginf(m), 0.0, m)


def _segment_mean(data, ids, n):
    s = jax.ops.segment_sum(data, ids, n)
    c = jax.ops.segment_sum(jnp.ones((data.shape[0],), data.dtype), ids, n)
    return s / jnp.maximum(c, 1.0)[:, None]


def reference(h, node_edge, node_seg, label_edge, label_seg):
    # forward(h, nodes, label_nodes) with nodes[3]=node_edge, nodes[4]=node_seg,
    # label_nodes[3]=label_edge, label_nodes[4]=label_seg
    ef_n = (h[node_edge[0]] + h[node_edge[1]]) / 2.0  # [E_N, d]
    ef_l = (h[label_edge[0]] + h[label_edge[1]]) / 2.0  # [E_L, d]
    edge_matrix = -_cdist(ef_n, ef_l)  # [E_N, E_L]
    # scatter(edge_matrix, label_seg, dim=1, reduce='max') -> [E_N, G_l]
    edge_out_n = _segment_max0(edge_matrix.T, label_seg, N_SEG).T
    # scatter(edge_out_n, node_seg, dim=0, reduce='mean') -> [G_n, G_l]
    edge_out_n = _segment_mean(edge_out_n, node_seg, N_SEG)
    # scatter(edge_matrix, node_seg, dim=0, reduce='max') -> [G_n, E_L]
    edge_out_l = _segment_max0(edge_matrix, node_seg, N_SEG)
    # scatter(edge_out_l, label_seg, dim=1, reduce='mean') -> [G_n, G_l]
    edge_out_l = _segment_mean(edge_out_l.T, label_seg, N_SEG).T
    return (edge_out_n + edge_out_l) / 2.0

if __name__ == "__main__":
    import jax
    _d = setup_inputs()
    print(jax.jit(kernel)(*tuple(_d.values())))

</pallas_src>

<mosaic_0001>
#map = affine_map<(d0, d1) -> (0, 0)>
#map1 = affine_map<(d0, d1) -> (0, 0, 0)>
module attributes {stable_mosaic.version = 14 : i64} {
  func.func @k(%arg0: i32, %arg1: i32, %arg2: memref<50000x128xf32, #tpu.memory_space<hbm>>, %arg3: memref<2x8192xi32, #tpu.memory_space<hbm>>, %arg4: memref<2x4096xi32, #tpu.memory_space<hbm>>, %arg5: memref<2x8192x128xf32, #tpu.memory_space<hbm>>, %arg6: memref<2x4096x128xf32, #tpu.memory_space<hbm>>, %arg7: memref<128xi32, #tpu.memory_space<vmem>>, %arg8: memref<128x128xf32, #tpu.memory_space<vmem>>, %arg9: memref<!tpu.dma_semaphore, #tpu.memory_space<semaphore_mem>>) attributes {dimension_semantics = [#tpu.dimension_semantics<core_parallel>, #tpu.dimension_semantics<subcore_parallel>], iteration_bounds = array<i64: 2, 16>, scalar_prefetch = 0 : i64, scratch_operands = 3 : i64, tpu.core_type = #tpu.core_type<sc_vector_subcore>, window_params = [{transform_indices = #map}, {transform_indices = #map}, {transform_indices = #map}, {transform_indices = #map1}, {transform_indices = #map1}]} {
    %mul3A = arith.constant 2 : i32
    %mul3A_0 = arith.muli %arg1, %mul3A : i32
    %add3A = arith.addi %mul3A_0, %arg0 : i32
    %mul3A_1 = arith.constant 2 : i32
    %mul3A_2 = arith.muli %add3A, %mul3A_1 : i32
    %add3A_3 = arith.constant 0 : i32
    %add3A_4 = arith.addi %mul3A_2, %add3A_3 : i32
    %mul3A_5 = arith.constant 128 : i32
    %mul3A_6 = arith.muli %add3A_4, %mul3A_5 : i32
    %multiple_of3A = tpu.assume_multiple %mul3A_6, 128 : i32
    %run_scoped3A = arith.constant 0 : i32
    "tpu.region"() ({
      %run_scoped3A_87 = tpu.sem_alloc : memref<!tpu.dma_semaphore, #tpu.memory_space<semaphore_mem>>
      %dma_start3A_88 = tpu.memref_slice %arg3[%run_scoped3A, %multiple_of3A] : memref<2x8192xi32, #tpu.memory_space<hbm>> -> memref<1x128xi32, #tpu.memory_space<hbm>>
      %dma_start3A_89 = tpu.memref_squeeze %dma_start3A_88 : memref<1x128xi32, #tpu.memory_space<hbm>> -> memref<128xi32, #tpu.memory_space<hbm>>
      %dma_start3A_90 = tpu.memref_slice %arg3[%run_scoped3A, %multiple_of3A] : memref<2x8192xi32, #tpu.memory_space<hbm>> -> memref<1x128xi32, #tpu.memory_space<hbm>>
      %dma_start3A_91 = tpu.memref_squeeze %dma_start3A_90 : memref<1x128xi32, #tpu.memory_space<hbm>> -> memref<128xi32, #tpu.memory_space<hbm>>
      tpu.enqueue_dma source(%dma_start3A_91 : memref<128xi32, #tpu.memory_space<hbm>>) target(%arg7 : memref<128xi32, #tpu.memory_space<vmem>>) target_semaphore(%run_scoped3A_87 : memref<!tpu.dma_semaphore, #tpu.memory_space<semaphore_mem>>)
      %dma_wait3A_92 = tpu.memref_slice %arg3[%run_scoped3A, %multiple_of3A] : memref<2x8192xi32, #tpu.memory_space<hbm>> -> memref<1x128xi32, #tpu.memory_space<hbm>>
      %dma_wait3A_93 = tpu.memref_squeeze %dma_wait3A_92 : memref<1x128xi32, #tpu.memory_space<hbm>> -> memref<128xi32, #tpu.memory_space<hbm>>
      %dma_wait3A_94 = tpu.memref_slice %arg3[%run_scoped3A, %multiple_of3A] : memref<2x8192xi32, #tpu.memory_space<hbm>> -> memref<1x128xi32, #tpu.memory_space<hbm>>
      %dma_wait3A_95 = tpu.memref_squeeze %dma_wait3A_94 : memref<1x128xi32, #tpu.memory_space<hbm>> -> memref<128xi32, #tpu.memory_space<hbm>>
      tpu.wait_dma2 semaphore(%run_scoped3A_87 : memref<!tpu.dma_semaphore, #tpu.memory_space<semaphore_mem>>) src(%dma_wait3A_95 : memref<128xi32, #tpu.memory_space<hbm>>) dst(%arg7 : memref<128xi32, #tpu.memory_space<vmem>>)
      tpu.yield
    }) : () -> ()
    %dma_start3A = arith.constant 0 : i32
    %dma_start3A_7 = arith.constant 0 : i32
    %dma_start3A_8 = tpu.memref_slice %arg2[%dma_start3A, %dma_start3A_7] : memref<50000x128xf32, #tpu.memory_space<hbm>> -> memref<50000x128xf32, #tpu.memory_space<hbm>>
    tpu.enqueue_indirect_dma source(%dma_start3A_8 : memref<50000x128xf32, #tpu.memory_space<hbm>>) target(%arg8 : memref<128x128xf32, #tpu.memory_space<vmem>>) offsets(%arg7 : memref<128xi32, #tpu.memory_space<vmem>>) semaphore(%arg9 : memref<!tpu.dma_semaphore, #tpu.memory_space<semaphore_mem>>)
    %dma_wait3A = arith.constant 0 : i32
    %dma_wait3A_9 = arith.constant 0 : i32
    %dma_wait3A_10 = tpu.memref_slice %arg2[%dma_wait3A, %dma_wait3A_9] : memref<50000x128xf32, #tpu.memory_space<hbm>> -> memref<50000x128xf32, #tpu.memory_space<hbm>>
    tpu.wait_indirect_dma semaphore(%arg9 : memref<!tpu.dma_semaphore, #tpu.memory_space<semaphore_mem>>) src(%dma_wait3A_10 : memref<50000x128xf32, #tpu.memory_space<hbm>>) dst(%arg8 : memref<128x128xf32, #tpu.memory_space<vmem>>)
    %run_scoped3A_11 = arith.constant 0 : i32
    "tpu.region"() ({
      %run_scoped3A_87 = tpu.sem_alloc : memref<!tpu.dma_semaphore, #tpu.memory_space<semaphore_mem>>
      %dma_start3A_88 = arith.constant 0 : i32
      %dma_start3A_89 = tpu.memref_slice %arg5[%run_scoped3A_11, %multiple_of3A, %dma_start3A_88] : memref<2x8192x128xf32, #tpu.memory_space<hbm>> -> memref<1x128x128xf32, #tpu.memory_space<hbm>>
      %dma_start3A_90 = tpu.memref_squeeze %dma_start3A_89 : memref<1x128x128xf32, #tpu.memory_space<hbm>> -> memref<128x128xf32, #tpu.memory_space<hbm>>
      %dma_start3A_91 = arith.constant 0 : i32
      %dma_start3A_92 = tpu.memref_slice %arg5[%run_scoped3A_11, %multiple_of3A, %dma_start3A_91] : memref<2x8192x128xf32, #tpu.memory_space<hbm>> -> memref<1x128x128xf32, #tpu.memory_space<hbm>>
      %dma_start3A_93 = tpu.memref_squeeze %dma_start3A_92 : memref<1x128x128xf32, #tpu.memory_space<hbm>> -> memref<128x128xf32, #tpu.memory_space<hbm>>
      tpu.enqueue_dma source(%arg8 : memref<128x128xf32, #tpu.memory_space<vmem>>) target(%dma_start3A_93 : memref<128x128xf32, #tpu.memory_space<hbm>>) target_semaphore(%run_scoped3A_87 : memref<!tpu.dma_semaphore, #tpu.memory_space<semaphore_mem>>)
      %dma_wait3A_94 = arith.constant 0 : i32
      %dma_wait3A_95 = tpu.memref_slice %arg5[%run_scoped3A_11, %multiple_of3A, %dma_wait3A_94] : memref<2x8192x128xf32, #tpu.memory_space<hbm>> -> memref<1x128x128xf32, #tpu.memory_space<hbm>>
      %dma_wait3A_96 = tpu.memref_squeeze %dma_wait3A_95 : memref<1x128x128xf32, #tpu.memory_space<hbm>> -> memref<128x128xf32, #tpu.memory_space<hbm>>
      %dma_wait3A_97 = arith.constant 0 : i32
      %dma_wait3A_98 = tpu.memref_slice %arg5[%run_scoped3A_11, %multiple_of3A, %dma_wait3A_97] : memref<2x8192x128xf32, #tpu.memory_space<hbm>> -> memref<1x128x128xf32, #tpu.memory_space<hbm>>
      %dma_wait3A_99 = tpu.memref_squeeze %dma_wait3A_98 : memref<1x128x128xf32, #tpu.memory_space<hbm>> -> memref<128x128xf32, #tpu.memory_space<hbm>>
      tpu.wait_dma2 semaphore(%run_scoped3A_87 : memref<!tpu.dma_semaphore, #tpu.memory_space<semaphore_mem>>) src(%arg8 : memref<128x128xf32, #tpu.memory_space<vmem>>) dst(%dma_wait3A_99 : memref<128x128xf32, #tpu.memory_space<hbm>>)
      tpu.yield
    }) : () -> ()
    %mul3A_12 = arith.constant 2 : i32
    %mul3A_13 = arith.muli %add3A, %mul3A_12 : i32
    %add3A_14 = arith.constant 1 : i32
    %add3A_15 = arith.addi %mul3A_13, %add3A_14 : i32
    %mul3A_16 = arith.constant 128 : i32
    %mul3A_17 = arith.muli %add3A_15, %mul3A_16 : i32
    %multiple_of3A_18 = tpu.assume_multiple %mul3A_17, 128 : i32
    %run_scoped3A_19 = arith.constant 0 : i32
    "tpu.region"() ({
      %run_scoped3A_87 = tpu.sem_alloc : memref<!tpu.dma_semaphore, #tpu.memory_space<semaphore_mem>>
      %dma_start3A_88 = tpu.memref_slice %arg3[%run_scoped3A_19, %multiple_of3A_18] : memref<2x8192xi32, #tpu.memory_space<hbm>> -> memref<1x128xi32, #tpu.memory_space<hbm>>
      %dma_start3A_89 = tpu.memref_squeeze %dma_start3A_88 : memref<1x128xi32, #tpu.memory_space<hbm>> -> memref<128xi32, #tpu.memory_space<hbm>>
      %dma_start3A_90 = tpu.memref_slice %arg3[%run_scoped3A_19, %multiple_of3A_18] : memref<2x8192xi32, #tpu.memory_space<hbm>> -> memref<1x128xi32, #tpu.memory_space<hbm>>
      %dma_start3A_91 = tpu.memref_squeeze %dma_start3A_90 : memref<1x128xi32, #tpu.memory_space<hbm>> -> memref<128xi32, #tpu.memory_space<hbm>>
      tpu.enqueue_dma source(%dma_start3A_91 : memref<128xi32, #tpu.memory_space<hbm>>) target(%arg7 : memref<128xi32, #tpu.memory_space<vmem>>) target_semaphore(%run_scoped3A_87 : memref<!tpu.dma_semaphore, #tpu.memory_space<semaphore_mem>>)
      %dma_wait3A_92 = tpu.memref_slice %arg3[%run_scoped3A_19, %multiple_of3A_18] : memref<2x8192xi32, #tpu.memory_space<hbm>> -> memref<1x128xi32, #tpu.memory_space<hbm>>
      %dma_wait3A_93 = tpu.memref_squeeze %dma_wait3A_92 : memref<1x128xi32, #tpu.memory_space<hbm>> -> memref<128xi32, #tpu.memory_space<hbm>>
      %dma_wait3A_94 = tpu.memref_slice %arg3[%run_scoped3A_19, %multiple_of3A_18] : memref<2x8192xi32, #tpu.memory_space<hbm>> -> memref<1x128xi32, #tpu.memory_space<hbm>>
      %dma_wait3A_95 = tpu.memref_squeeze %dma_wait3A_94 : memref<1x128xi32, #tpu.memory_space<hbm>> -> memref<128xi32, #tpu.memory_space<hbm>>
      tpu.wait_dma2 semaphore(%run_scoped3A_87 : memref<!tpu.dma_semaphore, #tpu.memory_space<semaphore_mem>>) src(%dma_wait3A_95 : memref<128xi32, #tpu.memory_space<hbm>>) dst(%arg7 : memref<128xi32, #tpu.memory_space<vmem>>)
      tpu.yield
    }) : () -> ()
    %dma_start3A_20 = arith.constant 0 : i32
    %dma_start3A_21 = arith.constant 0 : i32
    %dma_start3A_22 = tpu.memref_slice %arg2[%dma_start3A_20, %dma_start3A_21] : memref<50000x128xf32, #tpu.memory_space<hbm>> -> memref<50000x128xf32, #tpu.memory_space<hbm>>
    tpu.enqueue_indirect_dma source(%dma_start3A_22 : memref<50000x128xf32, #tpu.memory_space<hbm>>) target(%arg8 : memref<128x128xf32, #tpu.memory_space<vmem>>) offsets(%arg7 : memref<128xi32, #tpu.memory_space<vmem>>) semaphore(%arg9 : memref<!tpu.dma_semaphore, #tpu.memory_space<semaphore_mem>>)
    %dma_wait3A_23 = arith.constant 0 : i32
    %dma_wait3A_24 = arith.constant 0 : i32
    %dma_wait3A_25 = tpu.memref_slice %arg2[%dma_wait3A_23, %dma_wait3A_24] : memref<50000x128xf32, #tpu.memory_space<hbm>> -> memref<50000x128xf32, #tpu.memory_space<hbm>>
    tpu.wait_indirect_dma semaphore(%arg9 : memref<!tpu.dma_semaphore, #tpu.memory_space<semaphore_mem>>) src(%dma_wait3A_25 : memref<50000x128xf32, #tpu.memory_space<hbm>>) dst(%arg8 : memref<128x128xf32, #tpu.memory_space<vmem>>)
    %run_scoped3A_26 = arith.constant 0 : i32
    "tpu.region"() ({
      %run_scoped3A_87 = tpu.sem_alloc : memref<!tpu.dma_semaphore, #tpu.memory_space<semaphore_mem>>
      %dma_start3A_88 = arith.constant 0 : i32
      %dma_start3A_89 = tpu.memref_slice %arg5[%run_scoped3A_26, %multiple_of3A_18, %dma_start3A_88] : memref<2x8192x128xf32, #tpu.memory_space<hbm>> -> memref<1x128x128xf32, #tpu.memory_space<hbm>>
      %dma_start3A_90 = tpu.memref_squeeze %dma_start3A_89 : memref<1x128x128xf32, #tpu.memory_space<hbm>> -> memref<128x128xf32, #tpu.memory_space<hbm>>
      %dma_start3A_91 = arith.constant 0 : i32
      %dma_start3A_92 = tpu.memref_slice %arg5[%run_scoped3A_26, %multiple_of3A_18, %dma_start3A_91] : memref<2x8192x128xf32, #tpu.memory_space<hbm>> -> memref<1x128x128xf32, #tpu.memory_space<hbm>>
      %dma_start3A_93 = tpu.memref_squeeze %dma_start3A_92 : memref<1x128x128xf32, #tpu.memory_space<hbm>> -> memref<128x128xf32, #tpu.memory_space<hbm>>
      tpu.enqueue_dma source(%arg8 : memref<128x128xf32, #tpu.memory_space<vmem>>) target(%dma_start3A_93 : memref<128x128xf32, #tpu.memory_space<hbm>>) target_semaphore(%run_scoped3A_87 : memref<!tpu.dma_semaphore, #tpu.memory_space<semaphore_mem>>)
      %dma_wait3A_94 = arith.constant 0 : i32
      %dma_wait3A_95 = tpu.memref_slice %arg5[%run_scoped3A_26, %multiple_of3A_18, %dma_wait3A_94] : memref<2x8192x128xf32, #tpu.memory_space<hbm>> -> memref<1x128x128xf32, #tpu.memory_space<hbm>>
      %dma_wait3A_96 = tpu.memref_squeeze %dma_wait3A_95 : memref<1x128x128xf32, #tpu.memory_space<hbm>> -> memref<128x128xf32, #tpu.memory_space<hbm>>
      %dma_wait3A_97 = arith.constant 0 : i32
      %dma_wait3A_98 = tpu.memref_slice %arg5[%run_scoped3A_26, %multiple_of3A_18, %dma_wait3A_97] : memref<2x8192x128xf32, #tpu.memory_space<hbm>> -> memref<1x128x128xf32, #tpu.memory_space<hbm>>
      %dma_wait3A_99 = tpu.memref_squeeze %dma_wait3A_98 : memref<1x128x128xf32, #tpu.memory_space<hbm>> -> memref<128x128xf32, #tpu.memory_space<hbm>>
      tpu.wait_dma2 semaphore(%run_scoped3A_87 : memref<!tpu.dma_semaphore, #tpu.memory_space<semaphore_mem>>) src(%arg8 : memref<128x128xf32, #tpu.memory_space<vmem>>) dst(%dma_wait3A_99 : memref<128x128xf32, #tpu.memory_space<hbm>>)
      tpu.yield
    }) : () -> ()
    %mul3A_27 = arith.constant 1 : i32
    %mul3A_28 = arith.muli %add3A, %mul3A_27 : i32
    %add3A_29 = arith.constant 0 : i32
    %add3A_30 = arith.addi %mul3A_28, %add3A_29 : i32
    %mul3A_31 = arith.constant 128 : i32
    %mul3A_32 = arith.muli %add3A_30, %mul3A_31 : i32
    %multiple_of3A_33 = tpu.assume_multiple %mul3A_32, 128 : i32
    %run_scoped3A_34 = arith.constant 0 : i32
    "tpu.region"() ({
      %run_scoped3A_87 = tpu.sem_alloc : memref<!tpu.dma_semaphore, #tpu.memory_space<semaphore_mem>>
      %dma_start3A_88 = tpu.memref_slice %arg4[%run_scoped3A_34, %multiple_of3A_33] : memref<2x4096xi32, #tpu.memory_space<hbm>> -> memref<1x128xi32, #tpu.memory_space<hbm>>
      %dma_start3A_89 = tpu.memref_squeeze %dma_start3A_88 : memref<1x128xi32, #tpu.memory_space<hbm>> -> memref<128xi32, #tpu.memory_space<hbm>>
      %dma_start3A_90 = tpu.memref_slice %arg4[%run_scoped3A_34, %multiple_of3A_33] : memref<2x4096xi32, #tpu.memory_space<hbm>> -> memref<1x128xi32, #tpu.memory_space<hbm>>
      %dma_start3A_91 = tpu.memref_squeeze %dma_start3A_90 : memref<1x128xi32, #tpu.memory_space<hbm>> -> memref<128xi32, #tpu.memory_space<hbm>>
      tpu.enqueue_dma source(%dma_start3A_91 : memref<128xi32, #tpu.memory_space<hbm>>) target(%arg7 : memref<128xi32, #tpu.memory_space<vmem>>) target_semaphore(%run_scoped3A_87 : memref<!tpu.dma_semaphore, #tpu.memory_space<semaphore_mem>>)
      %dma_wait3A_92 = tpu.memref_slice %arg4[%run_scoped3A_34, %multiple_of3A_33] : memref<2x4096xi32, #tpu.memory_space<hbm>> -> memref<1x128xi32, #tpu.memory_space<hbm>>
      %dma_wait3A_93 = tpu.memref_squeeze %dma_wait3A_92 : memref<1x128xi32, #tpu.memory_space<hbm>> -> memref<128xi32, #tpu.memory_space<hbm>>
      %dma_wait3A_94 = tpu.memref_slice %arg4[%run_scoped3A_34, %multiple_of3A_33] : memref<2x4096xi32, #tpu.memory_space<hbm>> -> memref<1x128xi32, #tpu.memory_space<hbm>>
      %dma_wait3A_95 = tpu.memref_squeeze %dma_wait3A_94 : memref<1x128xi32, #tpu.memory_space<hbm>> -> memref<128xi32, #tpu.memory_space<hbm>>
      tpu.wait_dma2 semaphore(%run_scoped3A_87 : memref<!tpu.dma_semaphore, #tpu.memory_space<semaphore_mem>>) src(%dma_wait3A_95 : memref<128xi32, #tpu.memory_space<hbm>>) dst(%arg7 : memref<128xi32, #tpu.memory_space<vmem>>)
      tpu.yield
    }) : () -> ()
    %dma_start3A_35 = arith.constant 0 : i32
    %dma_start3A_36 = arith.constant 0 : i32
    %dma_start3A_37 = tpu.memref_slice %arg2[%dma_start3A_35, %dma_start3A_36] : memref<50000x128xf32, #tpu.memory_space<hbm>> -> memref<50000x128xf32, #tpu.memory_space<hbm>>
    tpu.enqueue_indirect_dma source(%dma_start3A_37 : memref<50000x128xf32, #tpu.memory_space<hbm>>) target(%arg8 : memref<128x128xf32, #tpu.memory_space<vmem>>) offsets(%arg7 : memref<128xi32, #tpu.memory_space<vmem>>) semaphore(%arg9 : memref<!tpu.dma_semaphore, #tpu.memory_space<semaphore_mem>>)
    %dma_wait3A_38 = arith.constant 0 : i32
    %dma_wait3A_39 = arith.constant 0 : i32
    %dma_wait3A_40 = tpu.memref_slice %arg2[%dma_wait3A_38, %dma_wait3A_39] : memref<50000x128xf32, #tpu.memory_space<hbm>> -> memref<50000x128xf32, #tpu.memory_space<hbm>>
    tpu.wait_indirect_dma semaphore(%arg9 : memref<!tpu.dma_semaphore, #tpu.memory_space<semaphore_mem>>) src(%dma_wait3A_40 : memref<50000x128xf32, #tpu.memory_space<hbm>>) dst(%arg8 : memref<128x128xf32, #tpu.memory_space<vmem>>)
    %run_scoped3A_41 = arith.constant 0 : i32
    "tpu.region"() ({
      %run_scoped3A_87 = tpu.sem_alloc : memref<!tpu.dma_semaphore, #tpu.memory_space<semaphore_mem>>
      %dma_start3A_88 = arith.constant 0 : i32
      %dma_start3A_89 = tpu.memref_slice %arg6[%run_scoped3A_41, %multiple_of3A_33, %dma_start3A_88] : memref<2x4096x128xf32, #tpu.memory_space<hbm>> -> memref<1x128x128xf32, #tpu.memory_space<hbm>>
      %dma_start3A_90 = tpu.memref_squeeze %dma_start3A_89 : memref<1x128x128xf32, #tpu.memory_space<hbm>> -> memref<128x128xf32, #tpu.memory_space<hbm>>
      %dma_start3A_91 = arith.constant 0 : i32
      %dma_start3A_92 = tpu.memref_slice %arg6[%run_scoped3A_41, %multiple_of3A_33, %dma_start3A_91] : memref<2x4096x128xf32, #tpu.memory_space<hbm>> -> memref<1x128x128xf32, #tpu.memory_space<hbm>>
      %dma_start3A_93 = tpu.memref_squeeze %dma_start3A_92 : memref<1x128x128xf32, #tpu.memory_space<hbm>> -> memref<128x128xf32, #tpu.memory_space<hbm>>
      tpu.enqueue_dma source(%arg8 : memref<128x128xf32, #tpu.memory_space<vmem>>) target(%dma_start3A_93 : memref<128x128xf32, #tpu.memory_space<hbm>>) target_semaphore(%run_scoped3A_87 : memref<!tpu.dma_semaphore, #tpu.memory_space<semaphore_mem>>)
      %dma_wait3A_94 = arith.constant 0 : i32
      %dma_wait3A_95 = tpu.memref_slice %arg6[%run_scoped3A_41, %multiple_of3A_33, %dma_wait3A_94] : memref<2x4096x128xf32, #tpu.memory_space<hbm>> -> memref<1x128x128xf32, #tpu.memory_space<hbm>>
      %dma_wait3A_96 = tpu.memref_squeeze %dma_wait3A_95 : memref<1x128x128xf32, #tpu.memory_space<hbm>> -> memref<128x128xf32, #tpu.memory_space<hbm>>
      %dma_wait3A_97 = arith.constant 0 : i32
      %dma_wait3A_98 = tpu.memref_slice %arg6[%run_scoped3A_41, %multiple_of3A_33, %dma_wait3A_97] : memref<2x4096x128xf32, #tpu.memory_space<hbm>> -> memref<1x128x128xf32, #tpu.memory_space<hbm>>
      %dma_wait3A_99 = tpu.memref_squeeze %dma_wait3A_98 : memref<1x128x128xf32, #tpu.memory_space<hbm>> -> memref<128x128xf32, #tpu.memory_space<hbm>>
      tpu.wait_dma2 semaphore(%run_scoped3A_87 : memref<!tpu.dma_semaphore, #tpu.memory_space<semaphore_mem>>) src(%arg8 : memref<128x128xf32, #tpu.memory_space<vmem>>) dst(%dma_wait3A_99 : memref<128x128xf32, #tpu.memory_space<hbm>>)
      tpu.yield
    }) : () -> ()
    %mul3A_42 = arith.constant 2 : i32
    %mul3A_43 = arith.muli %add3A, %mul3A_42 : i32
    %add3A_44 = arith.constant 0 : i32
    %add3A_45 = arith.addi %mul3A_43, %add3A_44 : i32
    %mul3A_46 = arith.constant 128 : i32
    %mul3A_47 = arith.muli %add3A_45, %mul3A_46 : i32
    %multiple_of3A_48 = tpu.assume_multiple %mul3A_47, 128 : i32
    %run_scoped3A_49 = arith.constant 1 : i32
    "tpu.region"() ({
      %run_scoped3A_87 = tpu.sem_alloc : memref<!tpu.dma_semaphore, #tpu.memory_space<semaphore_mem>>
      %dma_start3A_88 = tpu.memref_slice %arg3[%run_scoped3A_49, %multiple_of3A_48] : memref<2x8192xi32, #tpu.memory_space<hbm>> -> memref<1x128xi32, #tpu.memory_space<hbm>>
      %dma_start3A_89 = tpu.memref_squeeze %dma_start3A_88 : memref<1x128xi32, #tpu.memory_space<hbm>> -> memref<128xi32, #tpu.memory_space<hbm>>
      %dma_start3A_90 = tpu.memref_slice %arg3[%run_scoped3A_49, %multiple_of3A_48] : memref<2x8192xi32, #tpu.memory_space<hbm>> -> memref<1x128xi32, #tpu.memory_space<hbm>>
      %dma_start3A_91 = tpu.memref_squeeze %dma_start3A_90 : memref<1x128xi32, #tpu.memory_space<hbm>> -> memref<128xi32, #tpu.memory_space<hbm>>
      tpu.enqueue_dma source(%dma_start3A_91 : memref<128xi32, #tpu.memory_space<hbm>>) target(%arg7 : memref<128xi32, #tpu.memory_space<vmem>>) target_semaphore(%run_scoped3A_87 : memref<!tpu.dma_semaphore, #tpu.memory_space<semaphore_mem>>)
      %dma_wait3A_92 = tpu.memref_slice %arg3[%run_scoped3A_49, %multiple_of3A_48] : memref<2x8192xi32, #tpu.memory_space<hbm>> -> memref<1x128xi32, #tpu.memory_space<hbm>>
      %dma_wait3A_93 = tpu.memref_squeeze %dma_wait3A_92 : memref<1x128xi32, #tpu.memory_space<hbm>> -> memref<128xi32, #tpu.memory_space<hbm>>
      %dma_wait3A_94 = tpu.memref_slice %arg3[%run_scoped3A_49, %multiple_of3A_48] : memref<2x8192xi32, #tpu.memory_space<hbm>> -> memref<1x128xi32, #tpu.memory_space<hbm>>
      %dma_wait3A_95 = tpu.memref_squeeze %dma_wait3A_94 : memref<1x128xi32, #tpu.memory_space<hbm>> -> memref<128xi32, #tpu.memory_space<hbm>>
      tpu.wait_dma2 semaphore(%run_scoped3A_87 : memref<!tpu.dma_semaphore, #tpu.memory_space<semaphore_mem>>) src(%dma_wait3A_95 : memref<128xi32, #tpu.memory_space<hbm>>) dst(%arg7 : memref<128xi32, #tpu.memory_space<vmem>>)
      tpu.yield
    }) : () -> ()
    %dma_start3A_50 = arith.constant 0 : i32
    %dma_start3A_51 = arith.constant 0 : i32
    %dma_start3A_52 = tpu.memref_slice %arg2[%dma_start3A_50, %dma_start3A_51] : memref<50000x128xf32, #tpu.memory_space<hbm>> -> memref<50000x128xf32, #tpu.memory_space<hbm>>
    tpu.enqueue_indirect_dma source(%dma_start3A_52 : memref<50000x128xf32, #tpu.memory_space<hbm>>) target(%arg8 : memref<128x128xf32, #tpu.memory_space<vmem>>) offsets(%arg7 : memref<128xi32, #tpu.memory_space<vmem>>) semaphore(%arg9 : memref<!tpu.dma_semaphore, #tpu.memory_space<semaphore_mem>>)
    %dma_wait3A_53 = arith.constant 0 : i32
    %dma_wait3A_54 = arith.constant 0 : i32
    %dma_wait3A_55 = tpu.memref_slice %arg2[%dma_wait3A_53, %dma_wait3A_54] : memref<50000x128xf32, #tpu.memory_space<hbm>> -> memref<50000x128xf32, #tpu.memory_space<hbm>>
    tpu.wait_indirect_dma semaphore(%arg9 : memref<!tpu.dma_semaphore, #tpu.memory_space<semaphore_mem>>) src(%dma_wait3A_55 : memref<50000x128xf32, #tpu.memory_space<hbm>>) dst(%arg8 : memref<128x128xf32, #tpu.memory_space<vmem>>)
    %run_scoped3A_56 = arith.constant 1 : i32
    "tpu.region"() ({
      %run_scoped3A_87 = tpu.sem_alloc : memref<!tpu.dma_semaphore, #tpu.memory_space<semaphore_mem>>
      %dma_start3A_88 = arith.constant 0 : i32
      %dma_start3A_89 = tpu.memref_slice %arg5[%run_scoped3A_56, %multiple_of3A_48, %dma_start3A_88] : memref<2x8192x128xf32, #tpu.memory_space<hbm>> -> memref<1x128x128xf32, #tpu.memory_space<hbm>>
      %dma_start3A_90 = tpu.memref_squeeze %dma_start3A_89 : memref<1x128x128xf32, #tpu.memory_space<hbm>> -> memref<128x128xf32, #tpu.memory_space<hbm>>
      %dma_start3A_91 = arith.constant 0 : i32
      %dma_start3A_92 = tpu.memref_slice %arg5[%run_scoped3A_56, %multiple_of3A_48, %dma_start3A_91] : memref<2x8192x128xf32, #tpu.memory_space<hbm>> -> memref<1x128x128xf32, #tpu.memory_space<hbm>>
      %dma_start3A_93 = tpu.memref_squeeze %dma_start3A_92 : memref<1x128x128xf32, #tpu.memory_space<hbm>> -> memref<128x128xf32, #tpu.memory_space<hbm>>
      tpu.enqueue_dma source(%arg8 : memref<128x128xf32, #tpu.memory_space<vmem>>) target(%dma_start3A_93 : memref<128x128xf32, #tpu.memory_space<hbm>>) target_semaphore(%run_scoped3A_87 : memref<!tpu.dma_semaphore, #tpu.memory_space<semaphore_mem>>)
      %dma_wait3A_94 = arith.constant 0 : i32
      %dma_wait3A_95 = tpu.memref_slice %arg5[%run_scoped3A_56, %multiple_of3A_48, %dma_wait3A_94] : memref<2x8192x128xf32, #tpu.memory_space<hbm>> -> memref<1x128x128xf32, #tpu.memory_space<hbm>>
      %dma_wait3A_96 = tpu.memref_squeeze %dma_wait3A_95 : memref<1x128x128xf32, #tpu.memory_space<hbm>> -> memref<128x128xf32, #tpu.memory_space<hbm>>
      %dma_wait3A_97 = arith.constant 0 : i32
      %dma_wait3A_98 = tpu.memref_slice %arg5[%run_scoped3A_56, %multiple_of3A_48, %dma_wait3A_97] : memref<2x8192x128xf32, #tpu.memory_space<hbm>> -> memref<1x128x128xf32, #tpu.memory_space<hbm>>
      %dma_wait3A_99 = tpu.memref_squeeze %dma_wait3A_98 : memref<1x128x128xf32, #tpu.memory_space<hbm>> -> memref<128x128xf32, #tpu.memory_space<hbm>>
      tpu.wait_dma2 semaphore(%run_scoped3A_87 : memref<!tpu.dma_semaphore, #tpu.memory_space<semaphore_mem>>) src(%arg8 : memref<128x128xf32, #tpu.memory_space<vmem>>) dst(%dma_wait3A_99 : memref<128x128xf32, #tpu.memory_space<hbm>>)
      tpu.yield
    }) : () -> ()
    %mul3A_57 = arith.constant 2 : i32
    %mul3A_58 = arith.muli %add3A, %mul3A_57 : i32
    %add3A_59 = arith.constant 1 : i32
    %add3A_60 = arith.addi %mul3A_58, %add3A_59 : i32
    %mul3A_61 = arith.constant 128 : i32
    %mul3A_62 = arith.muli %add3A_60, %mul3A_61 : i32
    %multiple_of3A_63 = tpu.assume_multiple %mul3A_62, 128 : i32
    %run_scoped3A_64 = arith.constant 1 : i32
    "tpu.region"() ({
      %run_scoped3A_87 = tpu.sem_alloc : memref<!tpu.dma_semaphore, #tpu.memory_space<semaphore_mem>>
      %dma_start3A_88 = tpu.memref_slice %arg3[%run_scoped3A_64, %multiple_of3A_63] : memref<2x8192xi32, #tpu.memory_space<hbm>> -> memref<1x128xi32, #tpu.memory_space<hbm>>
      %dma_start3A_89 = tpu.memref_squeeze %dma_start3A_88 : memref<1x128xi32, #tpu.memory_space<hbm>> -> memref<128xi32, #tpu.memory_space<hbm>>
      %dma_start3A_90 = tpu.memref_slice %arg3[%run_scoped3A_64, %multiple_of3A_63] : memref<2x8192xi32, #tpu.memory_space<hbm>> -> memref<1x128xi32, #tpu.memory_space<hbm>>
      %dma_start3A_91 = tpu.memref_squeeze %dma_start3A_90 : memref<1x128xi32, #tpu.memory_space<hbm>> -> memref<128xi32, #tpu.memory_space<hbm>>
      tpu.enqueue_dma source(%dma_start3A_91 : memref<128xi32, #tpu.memory_space<hbm>>) target(%arg7 : memref<128xi32, #tpu.memory_space<vmem>>) target_semaphore(%run_scoped3A_87 : memref<!tpu.dma_semaphore, #tpu.memory_space<semaphore_mem>>)
      %dma_wait3A_92 = tpu.memref_slice %arg3[%run_scoped3A_64, %multiple_of3A_63] : memref<2x8192xi32, #tpu.memory_space<hbm>> -> memref<1x128xi32, #tpu.memory_space<hbm>>
      %dma_wait3A_93 = tpu.memref_squeeze %dma_wait3A_92 : memref<1x128xi32, #tpu.memory_space<hbm>> -> memref<128xi32, #tpu.memory_space<hbm>>
      %dma_wait3A_94 = tpu.memref_slice %arg3[%run_scoped3A_64, %multiple_of3A_63] : memref<2x8192xi32, #tpu.memory_space<hbm>> -> memref<1x128xi32, #tpu.memory_space<hbm>>
      %dma_wait3A_95 = tpu.memref_squeeze %dma_wait3A_94 : memref<1x128xi32, #tpu.memory_space<hbm>> -> memref<128xi32, #tpu.memory_space<hbm>>
      tpu.wait_dma2 semaphore(%run_scoped3A_87 : memref<!tpu.dma_semaphore, #tpu.memory_space<semaphore_mem>>) src(%dma_wait3A_95 : memref<128xi32, #tpu.memory_space<hbm>>) dst(%arg7 : memref<128xi32, #tpu.memory_space<vmem>>)
      tpu.yield
    }) : () -> ()
    %dma_start3A_65 = arith.constant 0 : i32
    %dma_start3A_66 = arith.constant 0 : i32
    %dma_start3A_67 = tpu.memref_slice %arg2[%dma_start3A_65, %dma_start3A_66] : memref<50000x128xf32, #tpu.memory_space<hbm>> -> memref<50000x128xf32, #tpu.memory_space<hbm>>
    tpu.enqueue_indirect_dma source(%dma_start3A_67 : memref<50000x128xf32, #tpu.memory_space<hbm>>) target(%arg8 : memref<128x128xf32, #tpu.memory_space<vmem>>) offsets(%arg7 : memref<128xi32, #tpu.memory_space<vmem>>) semaphore(%arg9 : memref<!tpu.dma_semaphore, #tpu.memory_space<semaphore_mem>>)
    %dma_wait3A_68 = arith.constant 0 : i32
    %dma_wait3A_69 = arith.constant 0 : i32
    %dma_wait3A_70 = tpu.memref_slice %arg2[%dma_wait3A_68, %dma_wait3A_69] : memref<50000x128xf32, #tpu.memory_space<hbm>> -> memref<50000x128xf32, #tpu.memory_space<hbm>>
    tpu.wait_indirect_dma semaphore(%arg9 : memref<!tpu.dma_semaphore, #tpu.memory_space<semaphore_mem>>) src(%dma_wait3A_70 : memref<50000x128xf32, #tpu.memory_space<hbm>>) dst(%arg8 : memref<128x128xf32, #tpu.memory_space<vmem>>)
    %run_scoped3A_71 = arith.constant 1 : i32
    "tpu.region"() ({
      %run_scoped3A_87 = tpu.sem_alloc : memref<!tpu.dma_semaphore, #tpu.memory_space<semaphore_mem>>
      %dma_start3A_88 = arith.constant 0 : i32
      %dma_start3A_89 = tpu.memref_slice %arg5[%run_scoped3A_71, %multiple_of3A_63, %dma_start3A_88] : memref<2x8192x128xf32, #tpu.memory_space<hbm>> -> memref<1x128x128xf32, #tpu.memory_space<hbm>>
      %dma_start3A_90 = tpu.memref_squeeze %dma_start3A_89 : memref<1x128x128xf32, #tpu.memory_space<hbm>> -> memref<128x128xf32, #tpu.memory_space<hbm>>
      %dma_start3A_91 = arith.constant 0 : i32
      %dma_start3A_92 = tpu.memref_slice %arg5[%run_scoped3A_71, %multiple_of3A_63, %dma_start3A_91] : memref<2x8192x128xf32, #tpu.memory_space<hbm>> -> memref<1x128x128xf32, #tpu.memory_space<hbm>>
      %dma_start3A_93 = tpu.memref_squeeze %dma_start3A_92 : memref<1x128x128xf32, #tpu.memory_space<hbm>> -> memref<128x128xf32, #tpu.memory_space<hbm>>
      tpu.enqueue_dma source(%arg8 : memref<128x128xf32, #tpu.memory_space<vmem>>) target(%dma_start3A_93 : memref<128x128xf32, #tpu.memory_space<hbm>>) target_semaphore(%run_scoped3A_87 : memref<!tpu.dma_semaphore, #tpu.memory_space<semaphore_mem>>)
      %dma_wait3A_94 = arith.constant 0 : i32
      %dma_wait3A_95 = tpu.memref_slice %arg5[%run_scoped3A_71, %multiple_of3A_63, %dma_wait3A_94] : memref<2x8192x128xf32, #tpu.memory_space<hbm>> -> memref<1x128x128xf32, #tpu.memory_space<hbm>>
      %dma_wait3A_96 = tpu.memref_squeeze %dma_wait3A_95 : memref<1x128x128xf32, #tpu.memory_space<hbm>> -> memref<128x128xf32, #tpu.memory_space<hbm>>
      %dma_wait3A_97 = arith.constant 0 : i32
      %dma_wait3A_98 = tpu.memref_slice %arg5[%run_scoped3A_71, %multiple_of3A_63, %dma_wait3A_97] : memref<2x8192x128xf32, #tpu.memory_space<hbm>> -> memref<1x128x128xf32, #tpu.memory_space<hbm>>
      %dma_wait3A_99 = tpu.memref_squeeze %dma_wait3A_98 : memref<1x128x128xf32, #tpu.memory_space<hbm>> -> memref<128x128xf32, #tpu.memory_space<hbm>>
      tpu.wait_dma2 semaphore(%run_scoped3A_87 : memref<!tpu.dma_semaphore, #tpu.memory_space<semaphore_mem>>) src(%arg8 : memref<128x128xf32, #tpu.memory_space<vmem>>) dst(%dma_wait3A_99 : memref<128x128xf32, #tpu.memory_space<hbm>>)
      tpu.yield
    }) : () -> ()
    %mul3A_72 = arith.constant 1 : i32
    %mul3A_73 = arith.muli %add3A, %mul3A_72 : i32
    %add3A_74 = arith.constant 0 : i32
    %add3A_75 = arith.addi %mul3A_73, %add3A_74 : i32
    %mul3A_76 = arith.constant 128 : i32
    %mul3A_77 = arith.muli %add3A_75, %mul3A_76 : i32
    %multiple_of3A_78 = tpu.assume_multiple %mul3A_77, 128 : i32
    %run_scoped3A_79 = arith.constant 1 : i32
    "tpu.region"() ({
      %run_scoped3A_87 = tpu.sem_alloc : memref<!tpu.dma_semaphore, #tpu.memory_space<semaphore_mem>>
      %dma_start3A_88 = tpu.memref_slice %arg4[%run_scoped3A_79, %multiple_of3A_78] : memref<2x4096xi32, #tpu.memory_space<hbm>> -> memref<1x128xi32, #tpu.memory_space<hbm>>
      %dma_start3A_89 = tpu.memref_squeeze %dma_start3A_88 : memref<1x128xi32, #tpu.memory_space<hbm>> -> memref<128xi32, #tpu.memory_space<hbm>>
      %dma_start3A_90 = tpu.memref_slice %arg4[%run_scoped3A_79, %multiple_of3A_78] : memref<2x4096xi32, #tpu.memory_space<hbm>> -> memref<1x128xi32, #tpu.memory_space<hbm>>
      %dma_start3A_91 = tpu.memref_squeeze %dma_start3A_90 : memref<1x128xi32, #tpu.memory_space<hbm>> -> memref<128xi32, #tpu.memory_space<hbm>>
      tpu.enqueue_dma source(%dma_start3A_91 : memref<128xi32, #tpu.memory_space<hbm>>) target(%arg7 : memref<128xi32, #tpu.memory_space<vmem>>) target_semaphore(%run_scoped3A_87 : memref<!tpu.dma_semaphore, #tpu.memory_space<semaphore_mem>>)
      %dma_wait3A_92 = tpu.memref_slice %arg4[%run_scoped3A_79, %multiple_of3A_78] : memref<2x4096xi32, #tpu.memory_space<hbm>> -> memref<1x128xi32, #tpu.memory_space<hbm>>
      %dma_wait3A_93 = tpu.memref_squeeze %dma_wait3A_92 : memref<1x128xi32, #tpu.memory_space<hbm>> -> memref<128xi32, #tpu.memory_space<hbm>>
      %dma_wait3A_94 = tpu.memref_slice %arg4[%run_scoped3A_79, %multiple_of3A_78] : memref<2x4096xi32, #tpu.memory_space<hbm>> -> memref<1x128xi32, #tpu.memory_space<hbm>>
      %dma_wait3A_95 = tpu.memref_squeeze %dma_wait3A_94 : memref<1x128xi32, #tpu.memory_space<hbm>> -> memref<128xi32, #tpu.memory_space<hbm>>
      tpu.wait_dma2 semaphore(%run_scoped3A_87 : memref<!tpu.dma_semaphore, #tpu.memory_space<semaphore_mem>>) src(%dma_wait3A_95 : memref<128xi32, #tpu.memory_space<hbm>>) dst(%arg7 : memref<128xi32, #tpu.memory_space<vmem>>)
      tpu.yield
    }) : () -> ()
    %dma_start3A_80 = arith.constant 0 : i32
    %dma_start3A_81 = arith.constant 0 : i32
    %dma_start3A_82 = tpu.memref_slice %arg2[%dma_start3A_80, %dma_start3A_81] : memref<50000x128xf32, #tpu.memory_space<hbm>> -> memref<50000x128xf32, #tpu.memory_space<hbm>>
    tpu.enqueue_indirect_dma source(%dma_start3A_82 : memref<50000x128xf32, #tpu.memory_space<hbm>>) target(%arg8 : memref<128x128xf32, #tpu.memory_space<vmem>>) offsets(%arg7 : memref<128xi32, #tpu.memory_space<vmem>>) semaphore(%arg9 : memref<!tpu.dma_semaphore, #tpu.memory_space<semaphore_mem>>)
    %dma_wait3A_83 = arith.constant 0 : i32
    %dma_wait3A_84 = arith.constant 0 : i32
    %dma_wait3A_85 = tpu.memref_slice %arg2[%dma_wait3A_83, %dma_wait3A_84] : memref<50000x128xf32, #tpu.memory_space<hbm>> -> memref<50000x128xf32, #tpu.memory_space<hbm>>
    tpu.wait_indirect_dma semaphore(%arg9 : memref<!tpu.dma_semaphore, #tpu.memory_space<semaphore_mem>>) src(%dma_wait3A_85 : memref<50000x128xf32, #tpu.memory_space<hbm>>) dst(%arg8 : memref<128x128xf32, #tpu.memory_space<vmem>>)
    %run_scoped3A_86 = arith.constant 1 : i32
    "tpu.region"() ({
      %run_scoped3A_87 = tpu.sem_alloc : memref<!tpu.dma_semaphore, #tpu.memory_space<semaphore_mem>>
      %dma_start3A_88 = arith.constant 0 : i32
      %dma_start3A_89 = tpu.memref_slice %arg6[%run_scoped3A_86, %multiple_of3A_78, %dma_start3A_88] : memref<2x4096x128xf32, #tpu.memory_space<hbm>> -> memref<1x128x128xf32, #tpu.memory_space<hbm>>
      %dma_start3A_90 = tpu.memref_squeeze %dma_start3A_89 : memref<1x128x128xf32, #tpu.memory_space<hbm>> -> memref<128x128xf32, #tpu.memory_space<hbm>>
      %dma_start3A_91 = arith.constant 0 : i32
      %dma_start3A_92 = tpu.memref_slice %arg6[%run_scoped3A_86, %multiple_of3A_78, %dma_start3A_91] : memref<2x4096x128xf32, #tpu.memory_space<hbm>> -> memref<1x128x128xf32, #tpu.memory_space<hbm>>
      %dma_start3A_93 = tpu.memref_squeeze %dma_start3A_92 : memref<1x128x128xf32, #tpu.memory_space<hbm>> -> memref<128x128xf32, #tpu.memory_space<hbm>>
      tpu.enqueue_dma source(%arg8 : memref<128x128xf32, #tpu.memory_space<vmem>>) target(%dma_start3A_93 : memref<128x128xf32, #tpu.memory_space<hbm>>) target_semaphore(%run_scoped3A_87 : memref<!tpu.dma_semaphore, #tpu.memory_space<semaphore_mem>>)
      %dma_wait3A_94 = arith.constant 0 : i32
      %dma_wait3A_95 = tpu.memref_slice %arg6[%run_scoped3A_86, %multiple_of3A_78, %dma_wait3A_94] : memref<2x4096x128xf32, #tpu.memory_space<hbm>> -> memref<1x128x128xf32, #tpu.memory_space<hbm>>
      %dma_wait3A_96 = tpu.memref_squeeze %dma_wait3A_95 : memref<1x128x128xf32, #tpu.memory_space<hbm>> -> memref<128x128xf32, #tpu.memory_space<hbm>>
      %dma_wait3A_97 = arith.constant 0 : i32
      %dma_wait3A_98 = tpu.memref_slice %arg6[%run_scoped3A_86, %multiple_of3A_78, %dma_wait3A_97] : memref<2x4096x128xf32, #tpu.memory_space<hbm>> -> memref<1x128x128xf32, #tpu.memory_space<hbm>>
      %dma_wait3A_99 = tpu.memref_squeeze %dma_wait3A_98 : memref<1x128x128xf32, #tpu.memory_space<hbm>> -> memref<128x128xf32, #tpu.memory_space<hbm>>
      tpu.wait_dma2 semaphore(%run_scoped3A_87 : memref<!tpu.dma_semaphore, #tpu.memory_space<semaphore_mem>>) src(%arg8 : memref<128x128xf32, #tpu.memory_space<vmem>>) dst(%dma_wait3A_99 : memref<128x128xf32, #tpu.memory_space<hbm>>)
      tpu.yield
    }) : () -> ()
    return
  }
}

module attributes {stable_mosaic.version = 14 : i64} {
  func.func @_tc_body(%arg0: i32, %arg1: memref<2x512x128xf32, #tpu.memory_space<vmem>>, %arg2: memref<2x4096x128xf32, #tpu.memory_space<vmem>>, %arg3: memref<1x4096xi32, #tpu.memory_space<vmem>>, %arg4: memref<1x1x512xi32, #tpu.memory_space<vmem>>, %arg5: memref<1x8192xi32, #tpu.memory_space<vmem>>, %arg6: memref<512x1xi32, #tpu.memory_space<vmem>>, %arg7: memref<128x128xf32, #tpu.memory_space<vmem>>, %arg8: memref<128x128xf32, #tpu.memory_space<vmem>>, %arg9: memref<128x4096xf32, #tpu.memory_space<vmem>>) attributes {dimension_semantics = [#tpu.dimension_semantics<arbitrary>], iteration_bounds = array<i64: 16>, scalar_prefetch = 0 : i64, scratch_operands = 2 : i64, tpu.core_type = #tpu.core_type<tc>, window_params = [{transform_indices = @transform_0, window_bounds = array<i64: 2, 512, 128>}, {pipeline_mode = #tpu.pipeline_mode<synchronous>, transform_indices = @transform_1, window_bounds = array<i64: 2, 4096, 128>}, {pipeline_mode = #tpu.pipeline_mode<synchronous>, transform_indices = @transform_2, window_bounds = array<i64: 1, 4096>}, {transform_indices = @transform_3, window_bounds = array<i64: 1, 1, 512>}, {pipeline_mode = #tpu.pipeline_mode<synchronous>, transform_indices = @transform_4, window_bounds = array<i64: 1, 8192>}, {transform_indices = @transform_5, window_bounds = array<i64: 512, 1>}, {pipeline_mode = #tpu.pipeline_mode<synchronous>, transform_indices = @transform_6, window_bounds = array<i64: 128, 128>}]} {
    %get3A = arith.constant 0 : index
    %get3A_0 = arith.constant 0 : index
    %get3A_1 = arith.constant 0 : index
    %get3A_2 = vector.load %arg1[%get3A, %get3A_0, %get3A_1] : memref<2x512x128xf32, #tpu.memory_space<vmem>>, vector<1x512x128xf32>
    %get3A_3 = vector.shape_cast %get3A_2 : vector<1x512x128xf32> to vector<512x128xf32>
    %get3A_4 = arith.constant 1 : index
    %get3A_5 = arith.constant 0 : index
    %get3A_6 = arith.constant 0 : index
    %get3A_7 = vector.load %arg1[%get3A_4, %get3A_5, %get3A_6] : memref<2x512x128xf32, #tpu.memory_space<vmem>>, vector<1x512x128xf32>
    %get3A_8 = vector.shape_cast %get3A_7 : vector<1x512x128xf32> to vector<512x128xf32>
    %add3A = arith.addf %get3A_3, %get3A_8 : vector<512x128xf32>
    %mul3A = arith.constant 5.000000e-01 : f32
    %mul3A_9 = vector.broadcast %mul3A : f32 to vector<512x128xf32>
    %mul3A_10 = arith.mulf %add3A, %mul3A_9 : vector<512x128xf32>
    %get3A_11 = arith.constant 0 : index
    %get3A_12 = arith.constant 0 : index
    %get3A_13 = arith.constant 0 : index
    %get3A_14 = vector.load %arg2[%get3A_11, %get3A_12, %get3A_13] : memref<2x4096x128xf32, #tpu.memory_space<vmem>>, vector<1x4096x128xf32>
    %get3A_15 = vector.shape_cast %get3A_14 : vector<1x4096x128xf32> to vector<4096x128xf32>
    %get3A_16 = arith.constant 1 : index
    %get3A_17 = arith.constant 0 : index
    %get3A_18 = arith.constant 0 : index
    %get3A_19 = vector.load %arg2[%get3A_16, %get3A_17, %get3A_18] : memref<2x4096x128xf32, #tpu.memory_space<vmem>>, vector<1x4096x128xf32>
    %get3A_20 = vector.shape_cast %get3A_19 : vector<1x4096x128xf32> to vector<4096x128xf32>
    %add3A_21 = arith.addf %get3A_15, %get3A_20 : vector<4096x128xf32>
    %mul3A_22 = arith.constant 5.000000e-01 : f32
    %mul3A_23 = vector.broadcast %mul3A_22 : f32 to vector<4096x128xf32>
    %mul3A_24 = arith.mulf %add3A_21, %mul3A_23 : vector<4096x128xf32>
    %mul3A_25 = arith.mulf %mul3A_10, %mul3A_10 : vector<512x128xf32>
    %reduce_sum3A = arith.constant dense<0.000000e+00> : vector<512xf32>
    %reduce_sum3A_26 = vector.multi_reduction <add>, %mul3A_25, %reduce_sum3A [1] : vector<512x128xf32> to vector<512xf32>
    %broadcast_in_dim3A = vector.shape_cast %reduce_sum3A_26 : vector<512xf32> to vector<512x1xf32>
    %broadcast_in_dim3A_27 = arith.constant 1.000000e+00 : f32
    %broadcast_in_dim3A_28 = vector.broadcast %broadcast_in_dim3A_27 : f32 to vector<1x128xf32>
    %mul3A_29 = arith.mulf %mul3A_24, %mul3A_24 : vector<4096x128xf32>
    %dot_general3A = arith.constant dense<0.000000e+00> : vector<1x4096xf32>
    %dot_general3A_30 = tpu.matmul %broadcast_in_dim3A_28, %mul3A_29, %dot_general3A {dimension_numbers = #tpu.dot_dimension_numbers<[1], [1], [0], [0], [0, 0, 1, 0], [], []>, transpose_lhs_hint = false} : vector<1x128xf32>, vector<4096x128xf32>, vector<1x4096xf32> -> vector<1x4096xf32>
    %dot_general3A_31 = arith.constant dense<0.000000e+00> : vector<512x4096xf32>
    %dot_general3A_32 = tpu.matmul %mul3A_10, %mul3A_24, %dot_general3A_31 {dimension_numbers = #tpu.dot_dimension_numbers<[1], [1], [0], [0], [0, 0, 1, 0], [], []>, transpose_lhs_hint = false} : vector<512x128xf32>, vector<4096x128xf32>, vector<512x4096xf32> -> vector<512x4096xf32>
    %add3A_33 = vector.broadcast %broadcast_in_dim3A : vector<512x1xf32> to vector<512x4096xf32>
    %add3A_34 = vector.broadcast %dot_general3A_30 : vector<1x4096xf32> to vector<512x4096xf32>
    %add3A_35 = arith.addf %add3A_33, %add3A_34 : vector<512x4096xf32>
    %mul3A_36 = arith.constant 2.000000e+00 : f32
    %mul3A_37 = vector.broadcast %mul3A_36 : f32 to vector<512x4096xf32>
    %mul3A_38 = arith.mulf %mul3A_37, %dot_general3A_32 : vector<512x4096xf32>
    %sub3A = arith.subf %add3A_35, %mul3A_38 : vector<512x4096xf32>
    %max3A = arith.constant 0.000000e+00 : f32
    %max3A_39 = vector.broadcast %max3A : f32 to vector<512x4096xf32>
    %max3A_40 = arith.maximumf %sub3A, %max3A_39 : vector<512x4096xf32>
    %sqrt3A = math.sqrt %max3A_40 : vector<512x4096xf32>
    %neg3A = arith.constant 0.000000e+00 : f32
    %neg3A_41 = vector.broadcast %neg3A : f32 to vector<512x4096xf32>
    %neg3A_42 = arith.subf %neg3A_41, %sqrt3A : vector<512x4096xf32>
    %get3A_43 = arith.constant 0 : index
    %get3A_44 = arith.constant 0 : index
    %get3A_45 = vector.load %arg3[%get3A_43, %get3A_44] : memref<1x4096xi32, #tpu.memory_space<vmem>>, vector<1x4096xi32>
    %iota3A = tpu.iota {dimensions = array<i32: 1>} : vector<1x4096xi32>
    %roll3A = arith.constant 1 : i32
    %roll3A_46 = tpu.dynamic_rotate %get3A_45 by %roll3A dim 1 : vector<1x4096xi32>, i32 -> vector<1x4096xi32>
    %eq3A = arith.cmpi eq, %get3A_45, %roll3A_46 : vector<1x4096xi32>
    %ge3A = arith.constant 1 : i32
    %ge3A_47 = vector.broadcast %ge3A : i32 to vector<1x4096xi32>
    %ge3A_48 = arith.cmpi sge, %iota3A, %ge3A_47 : vector<1x4096xi32>
    %and3A = arith.andi %eq3A, %ge3A_48 : vector<1x4096xi1>
    %roll3A_49 = arith.constant 1 : i32
    %roll3A_50 = tpu.dynamic_rotate %neg3A_42 by %roll3A_49 dim 1 : vector<512x4096xf32>, i32 -> vector<512x4096xf32>
    %jit3A = arith.constant 0xFF800000 : f32
    %broadcast_in_dim3A_51 = vector.shape_cast %and3A : vector<1x4096xi1> to vector<1x4096xi1>
    %broadcast_in_dim3A_52 = vector.broadcast %broadcast_in_dim3A_51 : vector<1x4096xi1> to vector<512x4096xi1>
    %broadcast_in_dim3A_53 = vector.broadcast %jit3A : f32 to vector<512x4096xf32>
    %select_n3A = arith.select %broadcast_in_dim3A_52, %roll3A_50, %broadcast_in_dim3A_53 : vector<512x4096xi1>, vector<512x4096xf32>
    %max3A_54 = arith.maximumf %neg3A_42, %select_n3A : vector<512x4096xf32>
    %roll3A_55 = arith.constant 2 : i32
    %roll3A_56 = tpu.dynamic_rotate %get3A_45 by %roll3A_55 dim 1 : vector<1x4096xi32>, i32 -> vector<1x4096xi32>
    %eq3A_57 = arith.cmpi eq, %get3A_45, %roll3A_56 : vector<1x4096xi32>
    %ge3A_58 = arith.constant 2 : i32
    %ge3A_59 = vector.broadcast %ge3A_58 : i32 to vector<1x4096xi32>
    %ge3A_60 = arith.cmpi sge, %iota3A, %ge3A_59 : vector<1x4096xi32>
    %and3A_61 = arith.andi %eq3A_57, %ge3A_60 : vector<1x4096xi1>
    %roll3A_62 = arith.constant 2 : i32
    %roll3A_63 = tpu.dynamic_rotate %max3A_54 by %roll3A_62 dim 1 : vector<512x4096xf32>, i32 -> vector<512x4096xf32>
    %jit3A_64 = arith.constant 0xFF800000 : f32
    %broadcast_in_dim3A_65 = vector.shape_cast %and3A_61 : vector<1x4096xi1> to vector<1x4096xi1>
    %broadcast_in_dim3A_66 = vector.broadcast %broadcast_in_dim3A_65 : vector<1x4096xi1> to vector<512x4096xi1>
    %broadcast_in_dim3A_67 = vector.broadcast %jit3A_64 : f32 to vector<512x4096xf32>
    %select_n3A_68 = arith.select %broadcast_in_dim3A_66, %roll3A_63, %broadcast_in_dim3A_67 : vector<512x4096xi1>, vector<512x4096xf32>
    %max3A_69 = arith.maximumf %max3A_54, %select_n3A_68 : vector<512x4096xf32>
    %roll3A_70 = arith.constant 4 : i32
    %roll3A_71 = tpu.dynamic_rotate %get3A_45 by %roll3A_70 dim 1 : vector<1x4096xi32>, i32 -> vector<1x4096xi32>
    %eq3A_72 = arith.cmpi eq, %get3A_45, %roll3A_71 : vector<1x4096xi32>
    %ge3A_73 = arith.constant 4 : i32
    %ge3A_74 = vector.broadcast %ge3A_73 : i32 to vector<1x4096xi32>
    %ge3A_75 = arith.cmpi sge, %iota3A, %ge3A_74 : vector<1x4096xi32>
    %and3A_76 = arith.andi %eq3A_72, %ge3A_75 : vector<1x4096xi1>
    %roll3A_77 = arith.constant 4 : i32
    %roll3A_78 = tpu.dynamic_rotate %max3A_69 by %roll3A_77 dim 1 : vector<512x4096xf32>, i32 -> vector<512x4096xf32>
    %jit3A_79 = arith.constant 0xFF800000 : f32
    %broadcast_in_dim3A_80 = vector.shape_cast %and3A_76 : vector<1x4096xi1> to vector<1x4096xi1>
    %broadcast_in_dim3A_81 = vector.broadcast %broadcast_in_dim3A_80 : vector<1x4096xi1> to vector<512x4096xi1>
    %broadcast_in_dim3A_82 = vector.broadcast %jit3A_79 : f32 to vector<512x4096xf32>
    %select_n3A_83 = arith.select %broadcast_in_dim3A_81, %roll3A_78, %broadcast_in_dim3A_82 : vector<512x4096xi1>, vector<512x4096xf32>
    %max3A_84 = arith.maximumf %max3A_69, %select_n3A_83 : vector<512x4096xf32>
    %roll3A_85 = arith.constant 8 : i32
    %roll3A_86 = tpu.dynamic_rotate %get3A_45 by %roll3A_85 dim 1 : vector<1x4096xi32>, i32 -> vector<1x4096xi32>
    %eq3A_87 = arith.cmpi eq, %get3A_45, %roll3A_86 : vector<1x4096xi32>
    %ge3A_88 = arith.constant 8 : i32
    %ge3A_89 = vector.broadcast %ge3A_88 : i32 to vector<1x4096xi32>
    %ge3A_90 = arith.cmpi sge, %iota3A, %ge3A_89 : vector<1x4096xi32>
    %and3A_91 = arith.andi %eq3A_87, %ge3A_90 : vector<1x4096xi1>
    %roll3A_92 = arith.constant 8 : i32
    %roll3A_93 = tpu.dynamic_rotate %max3A_84 by %roll3A_92 dim 1 : vector<512x4096xf32>, i32 -> vector<512x4096xf32>
    %jit3A_94 = arith.constant 0xFF800000 : f32
    %broadcast_in_dim3A_95 = vector.shape_cast %and3A_91 : vector<1x4096xi1> to vector<1x4096xi1>
    %broadcast_in_dim3A_96 = vector.broadcast %broadcast_in_dim3A_95 : vector<1x4096xi1> to vector<512x4096xi1>
    %broadcast_in_dim3A_97 = vector.broadcast %jit3A_94 : f32 to vector<512x4096xf32>
    %select_n3A_98 = arith.select %broadcast_in_dim3A_96, %roll3A_93, %broadcast_in_dim3A_97 : vector<512x4096xi1>, vector<512x4096xf32>
    %max3A_99 = arith.maximumf %max3A_84, %select_n3A_98 : vector<512x4096xf32>
    %roll3A_100 = arith.constant 16 : i32
    %roll3A_101 = tpu.dynamic_rotate %get3A_45 by %roll3A_100 dim 1 : vector<1x4096xi32>, i32 -> vector<1x4096xi32>
    %eq3A_102 = arith.cmpi eq, %get3A_45, %roll3A_101 : vector<1x4096xi32>
    %ge3A_103 = arith.constant 16 : i32
    %ge3A_104 = vector.broadcast %ge3A_103 : i32 to vector<1x4096xi32>
    %ge3A_105 = arith.cmpi sge, %iota3A, %ge3A_104 : vector<1x4096xi32>
    %and3A_106 = arith.andi %eq3A_102, %ge3A_105 : vector<1x4096xi1>
    %roll3A_107 = arith.constant 16 : i32
    %roll3A_108 = tpu.dynamic_rotate %max3A_99 by %roll3A_107 dim 1 : vector<512x4096xf32>, i32 -> vector<512x4096xf32>
    %jit3A_109 = arith.constant 0xFF800000 : f32
    %broadcast_in_dim3A_110 = vector.shape_cast %and3A_106 : vector<1x4096xi1> to vector<1x4096xi1>
    %broadcast_in_dim3A_111 = vector.broadcast %broadcast_in_dim3A_110 : vector<1x4096xi1> to vector<512x4096xi1>
    %broadcast_in_dim3A_112 = vector.broadcast %jit3A_109 : f32 to vector<512x4096xf32>
    %select_n3A_113 = arith.select %broadcast_in_dim3A_111, %roll3A_108, %broadcast_in_dim3A_112 : vector<512x4096xi1>, vector<512x4096xf32>
    %max3A_114 = arith.maximumf %max3A_99, %select_n3A_113 : vector<512x4096xf32>
    %roll3A_115 = arith.constant 32 : i32
    %roll3A_116 = tpu.dynamic_rotate %get3A_45 by %roll3A_115 dim 1 : vector<1x4096xi32>, i32 -> vector<1x4096xi32>
    %eq3A_117 = arith.cmpi eq, %get3A_45, %roll3A_116 : vector<1x4096xi32>
    %ge3A_118 = arith.constant 32 : i32
    %ge3A_119 = vector.broadcast %ge3A_118 : i32 to vector<1x4096xi32>
    %ge3A_120 = arith.cmpi sge, %iota3A, %ge3A_119 : vector<1x4096xi32>
    %and3A_121 = arith.andi %eq3A_117, %ge3A_120 : vector<1x4096xi1>
    %roll3A_122 = arith.constant 32 : i32
    %roll3A_123 = tpu.dynamic_rotate %max3A_114 by %roll3A_122 dim 1 : vector<512x4096xf32>, i32 -> vector<512x4096xf32>
    %jit3A_124 = arith.constant 0xFF800000 : f32
    %broadcast_in_dim3A_125 = vector.shape_cast %and3A_121 : vector<1x4096xi1> to vector<1x4096xi1>
    %broadcast_in_dim3A_126 = vector.broadcast %broadcast_in_dim3A_125 : vector<1x4096xi1> to vector<512x4096xi1>
    %broadcast_in_dim3A_127 = vector.broadcast %jit3A_124 : f32 to vector<512x4096xf32>
    %select_n3A_128 = arith.select %broadcast_in_dim3A_126, %roll3A_123, %broadcast_in_dim3A_127 : vector<512x4096xi1>, vector<512x4096xf32>
    %max3A_129 = arith.maximumf %max3A_114, %select_n3A_128 : vector<512x4096xf32>
    %roll3A_130 = arith.constant 64 : i32
    %roll3A_131 = tpu.dynamic_rotate %get3A_45 by %roll3A_130 dim 1 : vector<1x4096xi32>, i32 -> vector<1x4096xi32>
    %eq3A_132 = arith.cmpi eq, %get3A_45, %roll3A_131 : vector<1x4096xi32>
    %ge3A_133 = arith.constant 64 : i32
    %ge3A_134 = vector.broadcast %ge3A_133 : i32 to vector<1x4096xi32>
    %ge3A_135 = arith.cmpi sge, %iota3A, %ge3A_134 : vector<1x4096xi32>
    %and3A_136 = arith.andi %eq3A_132, %ge3A_135 : vector<1x4096xi1>
    %roll3A_137 = arith.constant 64 : i32
    %roll3A_138 = tpu.dynamic_rotate %max3A_129 by %roll3A_137 dim 1 : vector<512x4096xf32>, i32 -> vector<512x4096xf32>
    %jit3A_139 = arith.constant 0xFF800000 : f32
    %broadcast_in_dim3A_140 = vector.shape_cast %and3A_136 : vector<1x4096xi1> to vector<1x4096xi1>
    %broadcast_in_dim3A_141 = vector.broadcast %broadcast_in_dim3A_140 : vector<1x4096xi1> to vector<512x4096xi1>
    %broadcast_in_dim3A_142 = vector.broadcast %jit3A_139 : f32 to vector<512x4096xf32>
    %select_n3A_143 = arith.select %broadcast_in_dim3A_141, %roll3A_138, %broadcast_in_dim3A_142 : vector<512x4096xi1>, vector<512x4096xf32>
    %max3A_144 = arith.maximumf %max3A_129, %select_n3A_143 : vector<512x4096xf32>
    %roll3A_145 = arith.constant 128 : i32
    %roll3A_146 = tpu.dynamic_rotate %get3A_45 by %roll3A_145 dim 1 : vector<1x4096xi32>, i32 -> vector<1x4096xi32>
    %eq3A_147 = arith.cmpi eq, %get3A_45, %roll3A_146 : vector<1x4096xi32>
    %ge3A_148 = arith.constant 128 : i32
    %ge3A_149 = vector.broadcast %ge3A_148 : i32 to vector<1x4096xi32>
    %ge3A_150 = arith.cmpi sge, %iota3A, %ge3A_149 : vector<1x4096xi32>
    %and3A_151 = arith.andi %eq3A_147, %ge3A_150 : vector<1x4096xi1>
    %roll3A_152 = arith.constant 128 : i32
    %roll3A_153 = tpu.dynamic_rotate %max3A_144 by %roll3A_152 dim 1 : vector<512x4096xf32>, i32 -> vector<512x4096xf32>
    %jit3A_154 = arith.constant 0xFF800000 : f32
    %broadcast_in_dim3A_155 = vector.shape_cast %and3A_151 : vector<1x4096xi1> to vector<1x4096xi1>
    %broadcast_in_dim3A_156 = vector.broadcast %broadcast_in_dim3A_155 : vector<1x4096xi1> to vector<512x4096xi1>
    %broadcast_in_dim3A_157 = vector.broadcast %jit3A_154 : f32 to vector<512x4096xf32>
    %select_n3A_158 = arith.select %broadcast_in_dim3A_156, %roll3A_153, %broadcast_in_dim3A_157 : vector<512x4096xi1>, vector<512x4096xf32>
    %max3A_159 = arith.maximumf %max3A_144, %select_n3A_158 : vector<512x4096xf32>
    %roll3A_160 = arith.constant 256 : i32
    %roll3A_161 = tpu.dynamic_rotate %get3A_45 by %roll3A_160 dim 1 : vector<1x4096xi32>, i32 -> vector<1x4096xi32>
    %eq3A_162 = arith.cmpi eq, %get3A_45, %roll3A_161 : vector<1x4096xi32>
    %ge3A_163 = arith.constant 256 : i32
    %ge3A_164 = vector.broadcast %ge3A_163 : i32 to vector<1x4096xi32>
    %ge3A_165 = arith.cmpi sge, %iota3A, %ge3A_164 : vector<1x4096xi32>
    %and3A_166 = arith.andi %eq3A_162, %ge3A_165 : vector<1x4096xi1>
    %roll3A_167 = arith.constant 256 : i32
    %roll3A_168 = tpu.dynamic_rotate %max3A_159 by %roll3A_167 dim 1 : vector<512x4096xf32>, i32 -> vector<512x4096xf32>
    %jit3A_169 = arith.constant 0xFF800000 : f32
    %broadcast_in_dim3A_170 = vector.shape_cast %and3A_166 : vector<1x4096xi1> to vector<1x4096xi1>
    %broadcast_in_dim3A_171 = vector.broadcast %broadcast_in_dim3A_170 : vector<1x4096xi1> to vector<512x4096xi1>
    %broadcast_in_dim3A_172 = vector.broadcast %jit3A_169 : f32 to vector<512x4096xf32>
    %select_n3A_173 = arith.select %broadcast_in_dim3A_171, %roll3A_168, %broadcast_in_dim3A_172 : vector<512x4096xi1>, vector<512x4096xf32>
    %max3A_174 = arith.maximumf %max3A_159, %select_n3A_173 : vector<512x4096xf32>
    %roll3A_175 = arith.constant 512 : i32
    %roll3A_176 = tpu.dynamic_rotate %get3A_45 by %roll3A_175 dim 1 : vector<1x4096xi32>, i32 -> vector<1x4096xi32>
    %eq3A_177 = arith.cmpi eq, %get3A_45, %roll3A_176 : vector<1x4096xi32>
    %ge3A_178 = arith.constant 512 : i32
    %ge3A_179 = vector.broadcast %ge3A_178 : i32 to vector<1x4096xi32>
    %ge3A_180 = arith.cmpi sge, %iota3A, %ge3A_179 : vector<1x4096xi32>
    %and3A_181 = arith.andi %eq3A_177, %ge3A_180 : vector<1x4096xi1>
    %roll3A_182 = arith.constant 512 : i32
    %roll3A_183 = tpu.dynamic_rotate %max3A_174 by %roll3A_182 dim 1 : vector<512x4096xf32>, i32 -> vector<512x4096xf32>
    %jit3A_184 = arith.constant 0xFF800000 : f32
    %broadcast_in_dim3A_185 = vector.shape_cast %and3A_181 : vector<1x4096xi1> to vector<1x4096xi1>
    %broadcast_in_dim3A_186 = vector.broadcast %broadcast_in_dim3A_185 : vector<1x4096xi1> to vector<512x4096xi1>
    %broadcast_in_dim3A_187 = vector.broadcast %jit3A_184 : f32 to vector<512x4096xf32>
    %select_n3A_188 = arith.select %broadcast_in_dim3A_186, %roll3A_183, %broadcast_in_dim3A_187 : vector<512x4096xi1>, vector<512x4096xf32>
    %max3A_189 = arith.maximumf %max3A_174, %select_n3A_188 : vector<512x4096xf32>
    %roll3A_190 = arith.constant 1024 : i32
    %roll3A_191 = tpu.dynamic_rotate %get3A_45 by %roll3A_190 dim 1 : vector<1x4096xi32>, i32 -> vector<1x4096xi32>
    %eq3A_192 = arith.cmpi eq, %get3A_45, %roll3A_191 : vector<1x4096xi32>
    %ge3A_193 = arith.constant 1024 : i32
    %ge3A_194 = vector.broadcast %ge3A_193 : i32 to vector<1x4096xi32>
    %ge3A_195 = arith.cmpi sge, %iota3A, %ge3A_194 : vector<1x4096xi32>
    %and3A_196 = arith.andi %eq3A_192, %ge3A_195 : vector<1x4096xi1>
    %roll3A_197 = arith.constant 1024 : i32
    %roll3A_198 = tpu.dynamic_rotate %max3A_189 by %roll3A_197 dim 1 : vector<512x4096xf32>, i32 -> vector<512x4096xf32>
    %jit3A_199 = arith.constant 0xFF800000 : f32
    %broadcast_in_dim3A_200 = vector.shape_cast %and3A_196 : vector<1x4096xi1> to vector<1x4096xi1>
    %broadcast_in_dim3A_201 = vector.broadcast %broadcast_in_dim3A_200 : vector<1x4096xi1> to vector<512x4096xi1>
    %broadcast_in_dim3A_202 = vector.broadcast %jit3A_199 : f32 to vector<512x4096xf32>
    %select_n3A_203 = arith.select %broadcast_in_dim3A_201, %roll3A_198, %broadcast_in_dim3A_202 : vector<512x4096xi1>, vector<512x4096xf32>
    %max3A_204 = arith.maximumf %max3A_189, %select_n3A_203 : vector<512x4096xf32>
    %roll3A_205 = arith.constant 2048 : i32
    %roll3A_206 = tpu.dynamic_rotate %get3A_45 by %roll3A_205 dim 1 : vector<1x4096xi32>, i32 -> vector<1x4096xi32>
    %eq3A_207 = arith.cmpi eq, %get3A_45, %roll3A_206 : vector<1x4096xi32>
    %ge3A_208 = arith.constant 2048 : i32
    %ge3A_209 = vector.broadcast %ge3A_208 : i32 to vector<1x4096xi32>
    %ge3A_210 = arith.cmpi sge, %iota3A, %ge3A_209 : vector<1x4096xi32>
    %and3A_211 = arith.andi %eq3A_207, %ge3A_210 : vector<1x4096xi1>
    %roll3A_212 = arith.constant 2048 : i32
    %roll3A_213 = tpu.dynamic_rotate %max3A_204 by %roll3A_212 dim 1 : vector<512x4096xf32>, i32 -> vector<512x4096xf32>
    %jit3A_214 = arith.constant 0xFF800000 : f32
    %broadcast_in_dim3A_215 = vector.shape_cast %and3A_211 : vector<1x4096xi1> to vector<1x4096xi1>
    %broadcast_in_dim3A_216 = vector.broadcast %broadcast_in_dim3A_215 : vector<1x4096xi1> to vector<512x4096xi1>
    %broadcast_in_dim3A_217 = vector.broadcast %jit3A_214 : f32 to vector<512x4096xf32>
    %select_n3A_218 = arith.select %broadcast_in_dim3A_216, %roll3A_213, %broadcast_in_dim3A_217 : vector<512x4096xi1>, vector<512x4096xf32>
    %max3A_219 = arith.maximumf %max3A_204, %select_n3A_218 : vector<512x4096xf32>
    %roll3A_220 = arith.constant 4095 : i32
    %roll3A_221 = tpu.dynamic_rotate %get3A_45 by %roll3A_220 dim 1 : vector<1x4096xi32>, i32 -> vector<1x4096xi32>
    %ne3A = arith.cmpi ne, %get3A_45, %roll3A_221 : vector<1x4096xi32>
    %ge3A_222 = arith.constant 4095 : i32
    %ge3A_223 = vector.broadcast %ge3A_222 : i32 to vector<1x4096xi32>
    %ge3A_224 = arith.cmpi sge, %iota3A, %ge3A_223 : vector<1x4096xi32>
    %or3A = arith.ori %ne3A, %ge3A_224 : vector<1x4096xi1>
    %iota3A_225 = tpu.iota {dimensions = array<i32: 0>} : vector<128x4096xi32>
    %eq3A_226 = vector.broadcast %get3A_45 : vector<1x4096xi32> to vector<128x4096xi32>
    %eq3A_227 = arith.cmpi eq, %iota3A_225, %eq3A_226 : vector<128x4096xi32>
    %and3A_228 = vector.broadcast %or3A : vector<1x4096xi1> to vector<128x4096xi1>
    %and3A_229 = arith.andi %eq3A_227, %and3A_228 : vector<128x4096xi1>
    %jit3A_230 = arith.constant 1.000000e+00 : f32
    %jit3A_231 = arith.constant 0.000000e+00 : f32
    %broadcast_in_dim3A_232 = vector.broadcast %jit3A_230 : f32 to vector<128x4096xf32>
    %broadcast_in_dim3A_233 = vector.broadcast %jit3A_231 : f32 to vector<128x4096xf32>
    %select_n3A_234 = arith.select %and3A_229, %broadcast_in_dim3A_232, %broadcast_in_dim3A_233 : vector<128x4096xi1>, vector<128x4096xf32>
    %dot_general3A_235 = arith.constant dense<0.000000e+00> : vector<512x128xf32>
    %dot_general3A_236 = tpu.matmul %max3A_219, %select_n3A_234, %dot_general3A_235 {dimension_numbers = #tpu.dot_dimension_numbers<[1], [1], [0], [0], [0, 0, 1, 0], [], []>, transpose_lhs_hint = false} : vector<512x4096xf32>, vector<128x4096xf32>, vector<512x128xf32> -> vector<512x128xf32>
    %get3A_237 = arith.constant 0 : index
    %get3A_238 = arith.constant 0 : index
    %get3A_239 = arith.constant 0 : index
    %get3A_240 = vector.load %arg4[%get3A_237, %get3A_238, %get3A_239] : memref<1x1x512xi32, #tpu.memory_space<vmem>>, vector<1x1x512xi32>
    %get3A_241 = vector.shape_cast %get3A_240 : vector<1x1x512xi32> to vector<1x512xi32>
    %iota3A_242 = tpu.iota {dimensions = array<i32: 0>} : vector<128x512xi32>
    %eq3A_243 = vector.broadcast %get3A_241 : vector<1x512xi32> to vector<128x512xi32>
    %eq3A_244 = arith.cmpi eq, %iota3A_242, %eq3A_243 : vector<128x512xi32>
    %convert_element_type3A = arith.extui %eq3A_244 : vector<128x512xi1> to vector<128x512xi32>
    %convert_element_type3A_245 = arith.sitofp %convert_element_type3A : vector<128x512xi32> to vector<128x512xf32>
    %dot_general3A_246 = arith.constant dense<0.000000e+00> : vector<128x128xf32>
    %dot_general3A_247 = tpu.matmul %convert_element_type3A_245, %dot_general3A_236, %dot_general3A_246 {dimension_numbers = #tpu.dot_dimension_numbers<[1], [0], [0], [1], [0, 0, 1, 1], [], []>, transpose_lhs_hint = false} : vector<128x512xf32>, vector<512x128xf32>, vector<128x128xf32> -> vector<128x128xf32>
    %eq3A_248 = arith.constant 0 : i32
    %eq3A_249 = arith.cmpi eq, %arg0, %eq3A_248 : i32
    %convert_element_type3A_250 = arith.extui %eq3A_249 : i1 to i32
    %cond3A = arith.constant 0 : i32
    %cond3A_251 = arith.cmpi ne, %convert_element_type3A_250, %cond3A : i32
    scf.if %cond3A_251 {
      %swap3A = arith.constant 0 : index
      %swap3A_438 = arith.constant 0 : index
      %swap3A_439 = vector.load %arg8[%swap3A, %swap3A_438] : memref<128x128xf32, #tpu.memory_space<vmem>>, vector<128x128xf32>
      tpu.vector_store %arg8[%swap3A, %swap3A_438], %dot_general3A_247 {strides = array<i32>} : memref<128x128xf32, #tpu.memory_space<vmem>>, vector<128x128xf32>,
    } else {
    }
    %gt3A = arith.constant 0 : i32
    %gt3A_252 = arith.cmpi sgt, %arg0, %gt3A : i32
    %convert_element_type3A_253 = arith.extui %gt3A_252 : i1 to i32
    %cond3A_254 = arith.constant 0 : i32
    %cond3A_255 = arith.cmpi ne, %convert_element_type3A_253, %cond3A_254 : i32
    scf.if %cond3A_255 {
      %get3A_438 = arith.constant 0 : index
      %get3A_439 = arith.constant 0 : index
      %get3A_440 = vector.load %arg8[%get3A_438, %get3A_439] : memref<128x128xf32, #tpu.memory_space<vmem>>, vector<128x128xf32>
      %add3A_441 = arith.addf %get3A_440, %dot_general3A_247 : vector<128x128xf32>
      %swap3A = arith.constant 0 : index
      %swap3A_442 = arith.constant 0 : index
      %swap3A_443 = vector.load %arg8[%swap3A, %swap3A_442] : memref<128x128xf32, #tpu.memory_space<vmem>>, vector<128x128xf32>
      tpu.vector_store %arg8[%swap3A, %swap3A_442], %add3A_441 {strides = array<i32>} : memref<128x128xf32, #tpu.memory_space<vmem>>, vector<128x128xf32>,
    } else {
    }
    %get3A_256 = arith.constant 0 : index
    %get3A_257 = arith.constant 0 : index
    %get3A_258 = vector.load %arg6[%get3A_256, %get3A_257] : memref<512x1xi32, #tpu.memory_space<vmem>>, vector<512x1xi32>
    %iota3A_259 = tpu.iota {dimensions = array<i32: 0>} : vector<512x1xi32>
    %roll3A_260 = arith.constant 1 : i32
    %roll3A_261 = tpu.dynamic_rotate %get3A_258 by %roll3A_260 dim 0 : vector<512x1xi32>, i32 -> vector<512x1xi32>
    %eq3A_262 = arith.cmpi eq, %get3A_258, %roll3A_261 : vector<512x1xi32>
    %ge3A_263 = arith.constant 1 : i32
    %ge3A_264 = vector.broadcast %ge3A_263 : i32 to vector<512x1xi32>
    %ge3A_265 = arith.cmpi sge, %iota3A_259, %ge3A_264 : vector<512x1xi32>
    %and3A_266 = arith.andi %eq3A_262, %ge3A_265 : vector<512x1xi1>
    %roll3A_267 = arith.constant 1 : i32
    %roll3A_268 = tpu.dynamic_rotate %neg3A_42 by %roll3A_267 dim 0 : vector<512x4096xf32>, i32 -> vector<512x4096xf32>
    %jit3A_269 = arith.constant 0xFF800000 : f32
    %broadcast_in_dim3A_270 = vector.shape_cast %and3A_266 : vector<512x1xi1> to vector<512x1xi1>
    %broadcast_in_dim3A_271 = vector.broadcast %broadcast_in_dim3A_270 : vector<512x1xi1> to vector<512x4096xi1>
    %broadcast_in_dim3A_272 = vector.broadcast %jit3A_269 : f32 to vector<512x4096xf32>
    %select_n3A_273 = arith.select %broadcast_in_dim3A_271, %roll3A_268, %broadcast_in_dim3A_272 : vector<512x4096xi1>, vector<512x4096xf32>
    %max3A_274 = arith.maximumf %neg3A_42, %select_n3A_273 : vector<512x4096xf32>
    %roll3A_275 = arith.constant 2 : i32
    %roll3A_276 = tpu.dynamic_rotate %get3A_258 by %roll3A_275 dim 0 : vector<512x1xi32>, i32 -> vector<512x1xi32>
    %eq3A_277 = arith.cmpi eq, %get3A_258, %roll3A_276 : vector<512x1xi32>
    %ge3A_278 = arith.constant 2 : i32
    %ge3A_279 = vector.broadcast %ge3A_278 : i32 to vector<512x1xi32>
    %ge3A_280 = arith.cmpi sge, %iota3A_259, %ge3A_279 : vector<512x1xi32>
    %and3A_281 = arith.andi %eq3A_277, %ge3A_280 : vector<512x1xi1>
    %roll3A_282 = arith.constant 2 : i32
    %roll3A_283 = tpu.dynamic_rotate %max3A_274 by %roll3A_282 dim 0 : vector<512x4096xf32>, i32 -> vector<512x4096xf32>
    %jit3A_284 = arith.constant 0xFF800000 : f32
    %broadcast_in_dim3A_285 = vector.shape_cast %and3A_281 : vector<512x1xi1> to vector<512x1xi1>
    %broadcast_in_dim3A_286 = vector.broadcast %broadcast_in_dim3A_285 : vector<512x1xi1> to vector<512x4096xi1>
    %broadcast_in_dim3A_287 = vector.broadcast %jit3A_284 : f32 to vector<512x4096xf32>
    %select_n3A_288 = arith.select %broadcast_in_dim3A_286, %roll3A_283, %broadcast_in_dim3A_287 : vector<512x4096xi1>, vector<512x4096xf32>
    %max3A_289 = arith.maximumf %max3A_274, %select_n3A_288 : vector<512x4096xf32>
    %roll3A_290 = arith.constant 4 : i32
    %roll3A_291 = tpu.dynamic_rotate %get3A_258 by %roll3A_290 dim 0 : vector<512x1xi32>, i32 -> vector<512x1xi32>
    %eq3A_292 = arith.cmpi eq, %get3A_258, %roll3A_291 : vector<512x1xi32>
    %ge3A_293 = arith.constant 4 : i32
    %ge3A_294 = vector.broadcast %ge3A_293 : i32 to vector<512x1xi32>
    %ge3A_295 = arith.cmpi sge, %iota3A_259, %ge3A_294 : vector<512x1xi32>
    %and3A_296 = arith.andi %eq3A_292, %ge3A_295 : vector<512x1xi1>
    %roll3A_297 = arith.constant 4 : i32
    %roll3A_298 = tpu.dynamic_rotate %max3A_289 by %roll3A_297 dim 0 : vector<512x4096xf32>, i32 -> vector<512x4096xf32>
    %jit3A_299 = arith.constant 0xFF800000 : f32
    %broadcast_in_dim3A_300 = vector.shape_cast %and3A_296 : vector<512x1xi1> to vector<512x1xi1>
    %broadcast_in_dim3A_301 = vector.broadcast %broadcast_in_dim3A_300 : vector<512x1xi1> to vector<512x4096xi1>
    %broadcast_in_dim3A_302 = vector.broadcast %jit3A_299 : f32 to vector<512x4096xf32>
    %select_n3A_303 = arith.select %broadcast_in_dim3A_301, %roll3A_298, %broadcast_in_dim3A_302 : vector<512x4096xi1>, vector<512x4096xf32>
    %max3A_304 = arith.maximumf %max3A_289, %select_n3A_303 : vector<512x4096xf32>
    %roll3A_305 = arith.constant 8 : i32
    %roll3A_306 = tpu.dynamic_rotate %get3A_258 by %roll3A_305 dim 0 : vector<512x1xi32>, i32 -> vector<512x1xi32>
    %eq3A_307 = arith.cmpi eq, %get3A_258, %roll3A_306 : vector<512x1xi32>
    %ge3A_308 = arith.constant 8 : i32
    %ge3A_309 = vector.broadcast %ge3A_308 : i32 to vector<512x1xi32>
    %ge3A_310 = arith.cmpi sge, %iota3A_259, %ge3A_309 : vector<512x1xi32>
    %and3A_311 = arith.andi %eq3A_307, %ge3A_310 : vector<512x1xi1>
    %roll3A_312 = arith.constant 8 : i32
    %roll3A_313 = tpu.dynamic_rotate %max3A_304 by %roll3A_312 dim 0 : vector<512x4096xf32>, i32 -> vector<512x4096xf32>
    %jit3A_314 = arith.constant 0xFF800000 : f32
    %broadcast_in_dim3A_315 = vector.shape_cast %and3A_311 : vector<512x1xi1> to vector<512x1xi1>
    %broadcast_in_dim3A_316 = vector.broadcast %broadcast_in_dim3A_315 : vector<512x1xi1> to vector<512x4096xi1>
    %broadcast_in_dim3A_317 = vector.broadcast %jit3A_314 : f32 to vector<512x4096xf32>
    %select_n3A_318 = arith.select %broadcast_in_dim3A_316, %roll3A_313, %broadcast_in_dim3A_317 : vector<512x4096xi1>, vector<512x4096xf32>
    %max3A_319 = arith.maximumf %max3A_304, %select_n3A_318 : vector<512x4096xf32>
    %roll3A_320 = arith.constant 16 : i32
    %roll3A_321 = tpu.dynamic_rotate %get3A_258 by %roll3A_320 dim 0 : vector<512x1xi32>, i32 -> vector<512x1xi32>
    %eq3A_322 = arith.cmpi eq, %get3A_258, %roll3A_321 : vector<512x1xi32>
    %ge3A_323 = arith.constant 16 : i32
    %ge3A_324 = vector.broadcast %ge3A_323 : i32 to vector<512x1xi32>
    %ge3A_325 = arith.cmpi sge, %iota3A_259, %ge3A_324 : vector<512x1xi32>
    %and3A_326 = arith.andi %eq3A_322, %ge3A_325 : vector<512x1xi1>
    %roll3A_327 = arith.constant 16 : i32
    %roll3A_328 = tpu.dynamic_rotate %max3A_319 by %roll3A_327 dim 0 : vector<512x4096xf32>, i32 -> vector<512x4096xf32>
    %jit3A_329 = arith.constant 0xFF800000 : f32
    %broadcast_in_dim3A_330 = vector.shape_cast %and3A_326 : vector<512x1xi1> to vector<512x1xi1>
    %broadcast_in_dim3A_331 = vector.broadcast %broadcast_in_dim3A_330 : vector<512x1xi1> to vector<512x4096xi1>
    %broadcast_in_dim3A_332 = vector.broadcast %jit3A_329 : f32 to vector<512x4096xf32>
    %select_n3A_333 = arith.select %broadcast_in_dim3A_331, %roll3A_328, %broadcast_in_dim3A_332 : vector<512x4096xi1>, vector<512x4096xf32>
    %max3A_334 = arith.maximumf %max3A_319, %select_n3A_333 : vector<512x4096xf32>
    %roll3A_335 = arith.constant 32 : i32
    %roll3A_336 = tpu.dynamic_rotate %get3A_258 by %roll3A_335 dim 0 : vector<512x1xi32>, i32 -> vector<512x1xi32>
    %eq3A_337 = arith.cmpi eq, %get3A_258, %roll3A_336 : vector<512x1xi32>
    %ge3A_338 = arith.constant 32 : i32
    %ge3A_339 = vector.broadcast %ge3A_338 : i32 to vector<512x1xi32>
    %ge3A_340 = arith.cmpi sge, %iota3A_259, %ge3A_339 : vector<512x1xi32>
    %and3A_341 = arith.andi %eq3A_337, %ge3A_340 : vector<512x1xi1>
    %roll3A_342 = arith.constant 32 : i32
    %roll3A_343 = tpu.dynamic_rotate %max3A_334 by %roll3A_342 dim 0 : vector<512x4096xf32>, i32 -> vector<512x4096xf32>
    %jit3A_344 = arith.constant 0xFF800000 : f32
    %broadcast_in_dim3A_345 = vector.shape_cast %and3A_341 : vector<512x1xi1> to vector<512x1xi1>
    %broadcast_in_dim3A_346 = vector.broadcast %broadcast_in_dim3A_345 : vector<512x1xi1> to vector<512x4096xi1>
    %broadcast_in_dim3A_347 = vector.broadcast %jit3A_344 : f32 to vector<512x4096xf32>
    %select_n3A_348 = arith.select %broadcast_in_dim3A_346, %roll3A_343, %broadcast_in_dim3A_347 : vector<512x4096xi1>, vector<512x4096xf32>
    %max3A_349 = arith.maximumf %max3A_334, %select_n3A_348 : vector<512x4096xf32>
    %roll3A_350 = arith.constant 64 : i32
    %roll3A_351 = tpu.dynamic_rotate %get3A_258 by %roll3A_350 dim 0 : vector<512x1xi32>, i32 -> vector<512x1xi32>
    %eq3A_352 = arith.cmpi eq, %get3A_258, %roll3A_351 : vector<512x1xi32>
    %ge3A_353 = arith.constant 64 : i32
    %ge3A_354 = vector.broadcast %ge3A_353 : i32 to vector<512x1xi32>
    %ge3A_355 = arith.cmpi sge, %iota3A_259, %ge3A_354 : vector<512x1xi32>
    %and3A_356 = arith.andi %eq3A_352, %ge3A_355 : vector<512x1xi1>
    %roll3A_357 = arith.constant 64 : i32
    %roll3A_358 = tpu.dynamic_rotate %max3A_349 by %roll3A_357 dim 0 : vector<512x4096xf32>, i32 -> vector<512x4096xf32>
    %jit3A_359 = arith.constant 0xFF800000 : f32
    %broadcast_in_dim3A_360 = vector.shape_cast %and3A_356 : vector<512x1xi1> to vector<512x1xi1>
    %broadcast_in_dim3A_361 = vector.broadcast %broadcast_in_dim3A_360 : vector<512x1xi1> to vector<512x4096xi1>
    %broadcast_in_dim3A_362 = vector.broadcast %jit3A_359 : f32 to vector<512x4096xf32>
    %select_n3A_363 = arith.select %broadcast_in_dim3A_361, %roll3A_358, %broadcast_in_dim3A_362 : vector<512x4096xi1>, vector<512x4096xf32>
    %max3A_364 = arith.maximumf %max3A_349, %select_n3A_363 : vector<512x4096xf32>
    %roll3A_365 = arith.constant 128 : i32
    %roll3A_366 = tpu.dynamic_rotate %get3A_258 by %roll3A_365 dim 0 : vector<512x1xi32>, i32 -> vector<512x1xi32>
    %eq3A_367 = arith.cmpi eq, %get3A_258, %roll3A_366 : vector<512x1xi32>
    %ge3A_368 = arith.constant 128 : i32
    %ge3A_369 = vector.broadcast %ge3A_368 : i32 to vector<512x1xi32>
    %ge3A_370 = arith.cmpi sge, %iota3A_259, %ge3A_369 : vector<512x1xi32>
    %and3A_371 = arith.andi %eq3A_367, %ge3A_370 : vector<512x1xi1>
    %roll3A_372 = arith.constant 128 : i32
    %roll3A_373 = tpu.dynamic_rotate %max3A_364 by %roll3A_372 dim 0 : vector<512x4096xf32>, i32 -> vector<512x4096xf32>
    %jit3A_374 = arith.constant 0xFF800000 : f32
    %broadcast_in_dim3A_375 = vector.shape_cast %and3A_371 : vector<512x1xi1> to vector<512x1xi1>
    %broadcast_in_dim3A_376 = vector.broadcast %broadcast_in_dim3A_375 : vector<512x1xi1> to vector<512x4096xi1>
    %broadcast_in_dim3A_377 = vector.broadcast %jit3A_374 : f32 to vector<512x4096xf32>
    %select_n3A_378 = arith.select %broadcast_in_dim3A_376, %roll3A_373, %broadcast_in_dim3A_377 : vector<512x4096xi1>, vector<512x4096xf32>
    %max3A_379 = arith.maximumf %max3A_364, %select_n3A_378 : vector<512x4096xf32>
    %roll3A_380 = arith.constant 256 : i32
    %roll3A_381 = tpu.dynamic_rotate %get3A_258 by %roll3A_380 dim 0 : vector<512x1xi32>, i32 -> vector<512x1xi32>
    %eq3A_382 = arith.cmpi eq, %get3A_258, %roll3A_381 : vector<512x1xi32>
    %ge3A_383 = arith.constant 256 : i32
    %ge3A_384 = vector.broadcast %ge3A_383 : i32 to vector<512x1xi32>
    %ge3A_385 = arith.cmpi sge, %iota3A_259, %ge3A_384 : vector<512x1xi32>
    %and3A_386 = arith.andi %eq3A_382, %ge3A_385 : vector<512x1xi1>
    %roll3A_387 = arith.constant 256 : i32
    %roll3A_388 = tpu.dynamic_rotate %max3A_379 by %roll3A_387 dim 0 : vector<512x4096xf32>, i32 -> vector<512x4096xf32>
    %jit3A_389 = arith.constant 0xFF800000 : f32
    %broadcast_in_dim3A_390 = vector.shape_cast %and3A_386 : vector<512x1xi1> to vector<512x1xi1>
    %broadcast_in_dim3A_391 = vector.broadcast %broadcast_in_dim3A_390 : vector<512x1xi1> to vector<512x4096xi1>
    %broadcast_in_dim3A_392 = vector.broadcast %jit3A_389 : f32 to vector<512x4096xf32>
    %select_n3A_393 = arith.select %broadcast_in_dim3A_391, %roll3A_388, %broadcast_in_dim3A_392 : vector<512x4096xi1>, vector<512x4096xf32>
    %max3A_394 = arith.maximumf %max3A_379, %select_n3A_393 : vector<512x4096xf32>
    %roll3A_395 = arith.constant 511 : i32
    %roll3A_396 = tpu.dynamic_rotate %get3A_241 by %roll3A_395 dim 1 : vector<1x512xi32>, i32 -> vector<1x512xi32>
    %iota3A_397 = tpu.iota {dimensions = array<i32: 1>} : vector<1x512xi32>
    %ne3A_398 = arith.cmpi ne, %get3A_241, %roll3A_396 : vector<1x512xi32>
    %ge3A_399 = arith.constant 511 : i32
    %ge3A_400 = vector.broadcast %ge3A_399 : i32 to vector<1x512xi32>
    %ge3A_401 = arith.cmpi sge, %iota3A_397, %ge3A_400 : vector<1x512xi32>
    %or3A_402 = arith.ori %ne3A_398, %ge3A_401 : vector<1x512xi1>
    %and3A_403 = vector.broadcast %or3A_402 : vector<1x512xi1> to vector<128x512xi1>
    %and3A_404 = arith.andi %eq3A_244, %and3A_403 : vector<128x512xi1>
    %jit3A_405 = arith.constant 1.000000e+00 : f32
    %jit3A_406 = arith.constant 0.000000e+00 : f32
    %broadcast_in_dim3A_407 = vector.broadcast %jit3A_405 : f32 to vector<128x512xf32>
    %broadcast_in_dim3A_408 = vector.broadcast %jit3A_406 : f32 to vector<128x512xf32>
    %select_n3A_409 = arith.select %and3A_404, %broadcast_in_dim3A_407, %broadcast_in_dim3A_408 : vector<128x512xi1>, vector<128x512xf32>
    %dot_general3A_410 = arith.constant dense<0.000000e+00> : vector<128x4096xf32>
    %dot_general3A_411 = tpu.matmul %select_n3A_409, %max3A_394, %dot_general3A_410 {dimension_numbers = #tpu.dot_dimension_numbers<[1], [0], [0], [1], [0, 0, 1, 1], [], []>, transpose_lhs_hint = false} : vector<128x512xf32>, vector<512x4096xf32>, vector<128x4096xf32> -> vector<128x4096xf32>
    %reduce_sum3A_412 = arith.constant dense<0.000000e+00> : vector<128xf32>
    %reduce_sum3A_413 = vector.multi_reduction <add>, %convert_element_type3A_245, %reduce_sum3A_412 [1] : vector<128x512xf32> to vector<128xf32>
    %broadcast_in_dim3A_414 = vector.shape_cast %reduce_sum3A_413 : vector<128xf32> to vector<128x1xf32>
    %gt3A_415 = arith.constant 0.000000e+00 : f32
    %gt3A_416 = vector.broadcast %gt3A_415 : f32 to vector<128x1xf32>
    %gt3A_417 = arith.cmpf ogt, %broadcast_in_dim3A_414, %gt3A_416 : vector<128x1xf32>
    %jit3A_418 = arith.constant 0xFF800000 : f32
    %broadcast_in_dim3A_419 = vector.shape_cast %gt3A_417 : vector<128x1xi1> to vector<128x1xi1>
    %broadcast_in_dim3A_420 = vector.broadcast %broadcast_in_dim3A_419 : vector<128x1xi1> to vector<128x4096xi1>
    %broadcast_in_dim3A_421 = vector.broadcast %jit3A_418 : f32 to vector<128x4096xf32>
    %select_n3A_422 = arith.select %broadcast_in_dim3A_420, %dot_general3A_411, %broadcast_in_dim3A_421 : vector<128x4096xi1>, vector<128x4096xf32>
    %eq3A_423 = arith.constant 0 : i32
    %eq3A_424 = arith.cmpi eq, %arg0, %eq3A_423 : i32
    %convert_element_type3A_425 = arith.extui %eq3A_424 : i1 to i32
    %cond3A_426 = arith.constant 0 : i32
    %cond3A_427 = arith.cmpi ne, %convert_element_type3A_425, %cond3A_426 : i32
    scf.if %cond3A_427 {
      %swap3A = arith.constant 0 : index
      %swap3A_438 = arith.constant 0 : index
      %swap3A_439 = vector.load %arg9[%swap3A, %swap3A_438] : memref<128x4096xf32, #tpu.memory_space<vmem>>, vector<128x4096xf32>
      tpu.vector_store %arg9[%swap3A, %swap3A_438], %select_n3A_422 {strides = array<i32>} : memref<128x4096xf32, #tpu.memory_space<vmem>>, vector<128x4096xf32>,
    } else {
    }
    %gt3A_428 = arith.constant 0 : i32
    %gt3A_429 = arith.cmpi sgt, %arg0, %gt3A_428 : i32
    %convert_element_type3A_430 = arith.extui %gt3A_429 : i1 to i32
    %cond3A_431 = arith.constant 0 : i32
    %cond3A_432 = arith.cmpi ne, %convert_element_type3A_430, %cond3A_431 : i32
    scf.if %cond3A_432 {
      %get3A_438 = arith.constant 0 : index
      %get3A_439 = arith.constant 0 : index
      %get3A_440 = vector.load %arg9[%get3A_438, %get3A_439] : memref<128x4096xf32, #tpu.memory_space<vmem>>, vector<128x4096xf32>
      %max3A_441 = arith.maximumf %get3A_440, %select_n3A_422 : vector<128x4096xf32>
      %swap3A = arith.constant 0 : index
      %swap3A_442 = arith.constant 0 : index
      %swap3A_443 = vector.load %arg9[%swap3A, %swap3A_442] : memref<128x4096xf32, #tpu.memory_space<vmem>>, vector<128x4096xf32>
      tpu.vector_store %arg9[%swap3A, %swap3A_442], %max3A_441 {strides = array<i32>} : memref<128x4096xf32, #tpu.memory_space<vmem>>, vector<128x4096xf32>,
    } else {
    }
    %eq3A_433 = arith.constant 15 : i32
    %eq3A_434 = arith.cmpi eq, %arg0, %eq3A_433 : i32
    %convert_element_type3A_435 = arith.extui %eq3A_434 : i1 to i32
    %cond3A_436 = arith.constant 0 : i32
    %cond3A_437 = arith.cmpi ne, %convert_element_type3A_435, %cond3A_436 : i32
    scf.if %cond3A_437 {
      %get3A_438 = arith.constant 0 : index
      %get3A_439 = arith.constant 0 : index
      %get3A_440 = vector.load %arg5[%get3A_438, %get3A_439] : memref<1x8192xi32, #tpu.memory_space<vmem>>, vector<1x8192xi32>
      %iota3A_441 = tpu.iota {dimensions = array<i32: 0>} : vector<128x8192xi32>
      %eq3A_442 = vector.broadcast %get3A_440 : vector<1x8192xi32> to vector<128x8192xi32>
      %eq3A_443 = arith.cmpi eq, %iota3A_441, %eq3A_442 : vector<128x8192xi32>
      %convert_element_type3A_444 = arith.extui %eq3A_443 : vector<128x8192xi1> to vector<128x8192xi32>
      %convert_element_type3A_445 = arith.sitofp %convert_element_type3A_444 : vector<128x8192xi32> to vector<128x8192xf32>
      %reduce_sum3A_446 = arith.constant dense<0.000000e+00> : vector<128xf32>
      %reduce_sum3A_447 = vector.multi_reduction <add>, %convert_element_type3A_445, %reduce_sum3A_446 [1] : vector<128x8192xf32> to vector<128xf32>
      %broadcast_in_dim3A_448 = vector.shape_cast %reduce_sum3A_447 : vector<128xf32> to vector<128x1xf32>
      %get3A_449 = arith.constant 0 : index
      %get3A_450 = arith.constant 0 : index
      %get3A_451 = vector.load %arg8[%get3A_449, %get3A_450] : memref<128x128xf32, #tpu.memory_space<vmem>>, vector<128x128xf32>
      %max3A_452 = arith.constant 1.000000e+00 : f32
      %max3A_453 = vector.broadcast %max3A_452 : f32 to vector<128x1xf32>
      %max3A_454 = arith.maximumf %broadcast_in_dim3A_448, %max3A_453 : vector<128x1xf32>
      %div3A = vector.broadcast %max3A_454 : vector<128x1xf32> to vector<128x128xf32>
      %div3A_455 = arith.divf %get3A_451, %div3A : vector<128x128xf32>
      %get3A_456 = arith.constant 0 : index
      %get3A_457 = arith.constant 0 : index
      %get3A_458 = vector.load %arg9[%get3A_456, %get3A_457] : memref<128x4096xf32, #tpu.memory_space<vmem>>, vector<128x4096xf32>
      %eq3A_459 = arith.constant 0xFF800000 : f32
      %eq3A_460 = vector.broadcast %eq3A_459 : f32 to vector<128x4096xf32>
      %eq3A_461 = arith.cmpf oeq, %get3A_458, %eq3A_460 : vector<128x4096xf32>
      %jit3A_462 = arith.constant 0.000000e+00 : f32
      %broadcast_in_dim3A_463 = vector.broadcast %jit3A_462 : f32 to vector<128x4096xf32>
      %select_n3A_464 = arith.select %eq3A_461, %broadcast_in_dim3A_463, %get3A_458 : vector<128x4096xi1>, vector<128x4096xf32>
      %iota3A_465 = tpu.iota {dimensions = array<i32: 0>} : vector<128x4096xi32>
      %eq3A_466 = vector.broadcast %get3A_45 : vector<1x4096xi32> to vector<128x4096xi32>
      %eq3A_467 = arith.cmpi eq, %iota3A_465, %eq3A_466 : vector<128x4096xi32>
      %convert_element_type3A_468 = arith.extui %eq3A_467 : vector<128x4096xi1> to vector<128x4096xi32>
      %convert_element_type3A_469 = arith.sitofp %convert_element_type3A_468 : vector<128x4096xi32> to vector<128x4096xf32>
      %reduce_sum3A_470 = arith.constant dense<0.000000e+00> : vector<128xf32>
      %reduce_sum3A_471 = vector.multi_reduction <add>, %convert_element_type3A_469, %reduce_sum3A_470 [1] : vector<128x4096xf32> to vector<128xf32>
      %broadcast_in_dim3A_472 = vector.shape_cast %reduce_sum3A_471 : vector<128xf32> to vector<128x1xf32>
      %max3A_473 = arith.constant 1.000000e+00 : f32
      %max3A_474 = vector.broadcast %max3A_473 : f32 to vector<128x1xf32>
      %max3A_475 = arith.maximumf %broadcast_in_dim3A_472, %max3A_474 : vector<128x1xf32>
      %div3A_476 = vector.broadcast %max3A_475 : vector<128x1xf32> to vector<128x4096xf32>
      %div3A_477 = arith.divf %convert_element_type3A_469, %div3A_476 : vector<128x4096xf32>
      %dot_general3A_478 = arith.constant dense<0.000000e+00> : vector<128x128xf32>
      %dot_general3A_479 = tpu.matmul %select_n3A_464, %div3A_477, %dot_general3A_478 {dimension_numbers = #tpu.dot_dimension_numbers<[1], [1], [0], [0], [0, 0, 1, 0], [], []>, transpose_lhs_hint = false} : vector<128x4096xf32>, vector<128x4096xf32>, vector<128x128xf32> -> vector<128x128xf32>
      %add3A_480 = arith.addf %div3A_455, %dot_general3A_479 : vector<128x128xf32>
      %mul3A_481 = arith.constant 5.000000e-01 : f32
      %mul3A_482 = vector.broadcast %mul3A_481 : f32 to vector<128x128xf32>
      %mul3A_483 = arith.mulf %add3A_480, %mul3A_482 : vector<128x128xf32>
      %swap3A = arith.constant 0 : index
      %swap3A_484 = arith.constant 0 : index
      %swap3A_485 = vector.load %arg7[%swap3A, %swap3A_484] : memref<128x128xf32, #tpu.memory_space<vmem>>, vector<128x128xf32>
      tpu.vector_store %arg7[%swap3A, %swap3A_484], %mul3A_483 {strides = array<i32>} : memref<128x128xf32, #tpu.memory_space<vmem>>, vector<128x128xf32>,
    } else {
    }
    return
  }
  func.func @transform_0(%arg0: i32) -> (i32, i32, i32) {
    %c0_i32 = arith.constant 0 : i32
    %c0_i32_0 = arith.constant 0 : i32
    %c0_i32_1 = arith.constant 0 : i32
    return %c0_i32, %arg0, %c0_i32_0 : i32, i32, i32
  }
  func.func @transform_1(%arg0: i32) -> (i32, i32, i32) {
    %c0_i32 = arith.constant 0 : i32
    %c0_i32_0 = arith.constant 0 : i32
    %c0_i32_1 = arith.constant 0 : i32
    %c0_i32_2 = arith.constant 0 : i32
    return %c0_i32, %c0_i32_0, %c0_i32_1 : i32, i32, i32
  }
  func.func @transform_2(%arg0: i32) -> (i32, i32) {
    %c0_i32 = arith.constant 0 : i32
    %c0_i32_0 = arith.constant 0 : i32
    %c0_i32_1 = arith.constant 0 : i32
    return %c0_i32, %c0_i32_0 : i32, i32
  }
  func.func @transform_3(%arg0: i32) -> (i32, i32, i32) {
    %c0_i32 = arith.constant 0 : i32
    %c0_i32_0 = arith.constant 0 : i32
    %c0_i32_1 = arith.constant 0 : i32
    return %arg0, %c0_i32, %c0_i32_0 : i32, i32, i32
  }
  func.func @transform_4(%arg0: i32) -> (i32, i32) {
    %c0_i32 = arith.constant 0 : i32
    %c0_i32_0 = arith.constant 0 : i32
    %c0_i32_1 = arith.constant 0 : i32
    return %c0_i32, %c0_i32_0 : i32, i32
  }
  func.func @transform_5(%arg0: i32) -> (i32, i32) {
    %c0_i32 = arith.constant 0 : i32
    %c0_i32_0 = arith.constant 0 : i32
    return %arg0, %c0_i32 : i32, i32
  }
  func.func @transform_6(%arg0: i32) -> (i32, i32) {
    %c0_i32 = arith.constant 0 : i32
    %c0_i32_0 = arith.constant 0 : i32
    %c0_i32_1 = arith.constant 0 : i32
    return %c0_i32, %c0_i32_0 : i32, i32
  }
}

</mosaic_0001>

<sc_bundles>
// kernel: kernel.4.cloned.1.call-start
scs
__scs_entry_jumppad:
0x0: {  	(pc) =	sbr.rel $0x88, $3  }
0x1: {  	(tag) =	ssettag $0x0;
	lr =	simm.s32 $0x1  }
0x2: {  	[smem:$0x3F9C] =	sst lr;
	_ =	strace $0xD0000000  }
0x3: {  	_ = 	snop  }
0x4: {  	_ = 	snop  }
0x5: {  	_ = 	snop  }
0x6: {  	_ = 	snop  }
0x7: {  	_ = 	snop  }
__scs_overlays_trampoline_lowered:
0x8: {  	[smem:$0x3FAB] =	sst s0  }
0x9: {  	[smem:$0x3FAC] =	sst s1  }
0xa: {  	[smem:$0x3FAD] =	sst s2  }
0xb: {  	[smem:$0x3FAE] =	sst s3  }
0xc: {  	[smem:$0x3FAF] =	sst s4  }
0xd: {  	[smem:$0x3FB0] =	sst s5  }
0xe: {  	[smem:$0x3FB1] =	sst s6  }
0xf: {  	[smem:$0x3FB2] =	sst s7  }
0x10: {  	[smem:$0x3FB3] =	sst s8  }
0x11: {  	[smem:$0x3FB4] =	sst s9;
	s0 =	simm.s32 @!p0 $0x0  }
0x12: {  	s1 =	sld [smem:$0x3F9A];
	s0 =	simm.s32 @p0 $0x1  }
0x13: {  	[smem:$0x3FB5] =	sst s0;
	s0 =	simm.s32 @!p1 $0x0  }
0x14: {  	s2 =	sld [smem:$0x3F99];
	s0 =	simm.s32 @p1 $0x1  }
0x15: {  	[smem:$0x3FB6] =	sst s0;
	s0 =	simm.s32 @!p2 $0x0  }
0x16: {  	s3 =	sld [smem:$0x3FDB];
	s0 =	simm.s32 @p2 $0x1  }
0x17: {  	s4 =	simm.s32 $0x1BF5;
	[smem:$0x3FB8] =	sst s0  }
0x18: {  	s0 =	sld [smem:$0x3F9B];
	_ =	swait.ge [sflag:s4], $0x0  }
0x19: {  	s7 =	sld [smem:$0x3F9C]  }
0x1a: {  	s8 =	sadd.s32 $0xFFFFE003, lr  }
0x1b: {  	s9 =	sadd.s32 $0xFFFFFEF7, lr;
	s5 =	simm.s32 $0xFFFFFFFF;
	p2 =	slt.u32 s8, $0xFFFFF086  }
0x1c: {  	p1 =	slt.u32 s9, $0xF7A;
	s5 =	simm.s32 @!p2 $0x0  }
0x1d: {  	s5 =	simm.s32 @p1 $0x1;
	p0 =	seq.s32 s7, s2  }
0x1e: {  	s7 =	smul.u32 @!p0 $0xF7A, s2;
	p2 =	seq.s32 @!p0 s5, $0x0  }
0x1f: {  	s9 =	smul.u32 $0xF7A, s1;
	s8 =	simm.s32 @!p0 $0x1BF5;
	p2 =	por !p2, p0  }
0x20: {  	[sflag:s8] =	ssyncset.s32 @!p0 $0xFFFFF086;
	s6 =	sadd.s32 @!p0 s3, s7;
	s7 =	simm.s32 @!p0 $0x108  }
0x21: {  	s3 =	sadd.s32 s3, s9;
	s6 =	sadd.s32 @!p0 $0x88, s6;
	s7 =	simm.s32 @p2 $0x1082  }
0x22: {  	[simem:s7], [sflag:s8] =	dma.local @!p0 [hbm:s6], $0xF7A  }
0x23: {  	s9 =	sor.u32 $0xD0000000, s2;
	s6 =	simm.s32 $0x108;
	_ =	swait.ge @!p0 [sflag:s8], $0x0  }
0x24: {  	s3 =	sadd.s32 $0x88, s3;
	s6 =	simm.s32 @!p1 $0x1082;
	[sflag:s4] =	ssyncset.s32 $0xFFFFF086  }
0x25: {  	[simem:s6], [sflag:s4] =	dma.local [hbm:s3], $0xF7A  }
0x26: {  	[smem:$0x3F9C] =	sst s1;
	(tag) =	ssettag s2;
	_ =	strace s9  }
0x27: {  	s1 =	sld [smem:$0x3FAC]  }
0x28: {  	s2 =	sld [smem:$0x3FAD]  }
0x29: {  	s4 =	sld [smem:$0x3FAF]  }
0x2a: {  	p0 =	seq.s32 s5, $0x0;
	s5 =	sld [smem:$0x3FB0]  }
0x2b: {  	s6 =	sld [smem:$0x3FB1]  }
0x2c: {  	s7 =	sld [smem:$0x3FB2]  }
0x2d: {  	s3 =	simm.s32 $0x108;
	s8 =	sld [smem:$0x3FB3]  }
0x2e: {  	s3 =	simm.s32 @!p0 $0x1082;
	s9 =	sld [smem:$0x3FB4]  }
0x2f: {  	lr =	sadd.s32 s0, s3;
	s0 =	sld [smem:$0x3FAB]  }
0x30: {  	s3 =	sld [smem:$0x3FAE]  }
0x31: {  	[smem:$0x3FB7] =	sst s10  }
0x32: {  	s10 =	sld [smem:$0x3FB5];
	_ =	sdelay $0x3  }
0x33: {  	p0 =	seq.s32 s10, $0x1;
	s10 =	sld [smem:$0x3FB7];
	_ =	sdelay $0x3  }
0x34: {  	[smem:$0x3FB7] =	sst s10  }
0x35: {  	s10 =	sld [smem:$0x3FB6];
	_ =	sdelay $0x3  }
0x36: {  	p1 =	seq.s32 s10, $0x1;
	s10 =	sld [smem:$0x3FB7];
	_ =	sdelay $0x3  }
0x37: {  	[smem:$0x3FB7] =	sst s10  }
0x38: {  	s10 =	sld [smem:$0x3FB8]  }
0x39: {  	_ = 	snop;
	(pc) =	sbr.ind lr, $3  }
0x3a: {  	_ = 	snop  }
0x3b: {  	_ = 	snop  }
0x3c: {  	p2 =	seq.s32 s10, $0x1;
	s10 =	sld [smem:$0x3FB7]  }
0x3d: {  	_ =	shalt  }
0x3e: {  	_ =	shalt  }
0x3f: {  	_ =	shalt  }
0x40: {  	_ =	shalt  }
0x41: {  	_ =	shalt  }
0x42: {  	_ =	shalt  }
0x43: {  	_ =	shalt  }
0x44: {  	_ =	shalt  }
0x45: {  	_ =	shalt  }
0x46: {  	_ =	shalt  }
0x47: {  	_ =	shalt  }
0x48: {  	_ =	shalt  }
0x49: {  	_ =	shalt  }
0x4a: {  	_ =	shalt  }
0x4b: {  	_ =	shalt  }
0x4c: {  	_ =	shalt  }
0x4d: {  	_ =	shalt  }
0x4e: {  	_ =	shalt  }
0x4f: {  	_ =	shalt  }
0x50: {  	_ =	shalt  }
0x51: {  	_ =	shalt  }
0x52: {  	_ =	shalt  }
0x53: {  	_ =	shalt  }
0x54: {  	_ =	shalt  }
0x55: {  	_ =	shalt  }
0x56: {  	_ =	shalt  }
0x57: {  	_ =	shalt  }
0x58: {  	_ =	shalt  }
0x59: {  	_ =	shalt  }
0x5a: {  	_ =	shalt  }
0x5b: {  	_ =	shalt  }
0x5c: {  	_ =	shalt  }
0x5d: {  	_ =	shalt  }
0x5e: {  	_ =	shalt  }
0x5f: {  	_ =	shalt  }
0x60: {  	_ =	shalt  }
0x61: {  	_ =	shalt  }
0x62: {  	_ =	shalt  }
0x63: {  	_ =	shalt  }
0x64: {  	_ =	shalt  }
0x65: {  	_ =	shalt  }
0x66: {  	_ =	shalt  }
0x67: {  	_ =	shalt  }
0x68: {  	_ =	shalt  }
0x69: {  	_ =	shalt  }
0x6a: {  	_ =	shalt  }
0x6b: {  	_ =	shalt  }
0x6c: {  	_ =	shalt  }
0x6d: {  	_ =	shalt  }
0x6e: {  	_ =	shalt  }
0x6f: {  	_ =	shalt  }
0x70: {  	_ =	shalt  }
0x71: {  	_ =	shalt  }
0x72: {  	_ =	shalt  }
0x73: {  	_ =	shalt  }
0x74: {  	_ =	shalt  }
0x75: {  	_ =	shalt  }
0x76: {  	_ =	shalt  }
0x77: {  	_ =	shalt  }
0x78: {  	_ =	shalt  }
0x79: {  	_ =	shalt  }
0x7a: {  	_ =	shalt  }
0x7b: {  	_ =	shalt  }
0x7c: {  	_ =	shalt  }
0x7d: {  	_ =	shalt  }
0x7e: {  	_ =	shalt  }
0x7f: {  	_ =	shalt  }
0x80: {  	_ =	shalt  }
0x81: {  	_ =	shalt  }
0x82: {  	_ =	shalt  }
0x83: {  	_ =	shalt  }
0x84: {  	_ =	shalt  }
0x85: {  	_ =	shalt  }
0x86: {  	_ =	shalt  }
0x87: {  	_ =	shalt  }
.Lfunc_end0:
.L_simem_size_0:
called_computation_lowered:
.L_overlay_start_0:
0x88: {  	s2 =	sld [smem:$0x3FD9]  }
0x89: {  	s3 =	sld [smem:$0x3FFE];
	_ =	sdelay $0x1  }
0x8a: {  	s1 =	srdreg.scid  }
0x8b: {  	s0 =	sand.u32 $0x1, s1  }
0x8c: {  	s17 =	sshll.u32 s0, $0xA;
	s2 =	sadd.s32 s3, s2  }
0x8d: {  	s2 =	sadd.s32 s2, s17  }
0x8e: {  	[smem:$0x3FC3] =	sst s2  }
0x8f: {  	_ = 	snop  }
0x90: {  	s2 =	sld [smem:$0x3FC9]  }
0x91: {  	s18 =	sld [smem:$0x3FC8]  }
0x92: {  	s4 =	sld [smem:$0x3FC6];
	(tm) =	ssettm $0x1  }
0x93: {  	s5 =	sld [smem:$0x3FFB];
	_ =	sdelay $0x3  }
0x94: {  	_ =	strace s5  }
0x95: {  	s5 =	sld [smem:$0x3FFC];
	_ =	sdelay $0x3  }
0x96: {  	_ =	strace s5  }
0x97: {  	s5 =	sld [smem:$0x3FFD];
	_ =	sdelay $0x3  }
0x98: {  	_ =	strace s5  }
0x99: {  	_ =	strace $0x8FFFFFFF  }
0x9a: {  	s19 =	sld [smem:$0x3FDB];
	_ =	sdelay $0x1  }
0x9b: {  	s6 =	simm.s32 $_scs_section_size  }
0x9c: {  	s7 =	simm.s32 $_size__tile_overlayer_lowered;
	s8 =	simm.s32 $_tile_overlayer_lowered  }
0x9d: {  	s22 =	simm.s32 $0x1BFF;
	s21 =	sshll.u32 s8, $0x1;
	s5 =	sadd.s32 s6, s19  }
0x9e: {  	s9 =	simm.s32 $0x0;
	s20 =	sshll.u32 s7, $0x1;
	s7 =	sadd.s32 s21, s5  }
0x9f: {  	[timem:s9], [sflag:s22] =	dma.local [hbm:s7], s20  }
0xa0: {  	_ =	swait.ge [sflag:s22], s20  }
0xa1: {  	s6 =	ssub.s32 $0x0, s20;
	[sflag:s22] =	ssyncset.done $0x0  }
0xa2: {  	[sflag:s22] =	ssyncadd.s32 s6;
	_ =	sdelay $0x1  }
0xa3: {  	s23 =	simm.s32 $0x1B8B  }
0xa4: {  	_ =	swait.ge [sflag:s23], $0x1  }
0xa5: {  	[sflag:s23] =	ssyncset.done $0x0  }
0xa6: {  	s25 =	simm.s32 $0x1B8E;
	s24 =	sld [smem:$0x3FFE];
	[sflag:s23] =	ssyncadd.s32 $0xFFFFFFFF  }
0xa7: {  	s26 =	simm.s32 $execute0_lowered;
	[smem:$0x3FD2] =	sst s25  }
0xa8: {  	s7 =	sshll.u32 s26, $0x1;
	_ =	strace $0x80000046;
	[dreg:$0x1] =	wrdreg $0xFFFFFFFF  }
0xa9: {  	s28 =	simm.s32 $_size_execute0_lowered;
	s5 =	sadd.s32 s5, s7;
	[dreg:$0x0] =	wrdreg $0x0  }
0xaa: {  	s7 =	sshll.u32 s28, $0x1;
	[dreg:$0x2] =	wrdreg s5  }
0xab: {  	[dreg:$0x3] =	wrdreg s7  }
0xac: {  	[dreg:$0x4] =	wrdreg $0xC0  }
0xad: {  	_ =	task [dreg:s9], $0x5FFFF  }
0xae: {  	[dreg:$0x1] =	wrdreg $0xFFFFFFFF  }
0xaf: {  	[dreg:$0x0] =	wrdreg $0x60  }
0xb0: {  	[dreg:$0x2] =	wrdreg s2  }
0xb1: {  	[dreg:$0x3] =	wrdreg s18  }
0xb2: {  	[dreg:$0x4] =	wrdreg s4  }
0xb3: {  	[dreg:$0x5] =	wrdreg s24  }
0xb4: {  	[dreg:$0x6] =	wrdreg $0x9  }
0xb5: {  	_ =	task.clear_ibuf [dreg:s9], $0x7FFFF;
	_ =	strace $0x90000046  }
0xb6: {  	s29 =	simm.s32 $0x9;
	_ =	strace $0x80000048  }
0xb7: {  	_ =	swait.ge [sflag:s29], $0x1  }
0xb8: {  	[sflag:s29] =	ssyncadd.s32 $0xFFFFFFFF  }
0xb9: {  	_ =	strace $0x90000048  }
0xba: {  	_ =	sfence  }
0xbb: {  	s30 =	sld [smem:$0x0];
	_ =	sdelay $0x2  }
0xbc: {  	s31 =	sshll.u32 s1, $0xD;
	s1 =	sshrl.u32 s1, $0x2  }
0xbd: {  	s3 =	sand.u32 $0x4000, s31;
	s1 =	sadd.s32 s1, s30  }
0xbe: {  	s0 =	sor.u32 s3, s0;
	s1 =	sshll.u32 s1, $0x11  }
0xbf: {  	s0 =	sor.u32 s1, s0  }
0xc0: {  	s0 =	sadd.s32 $0x8F2B, s0  }
0xc1: {  	[sflag:s0] =	ssyncadd.remote.s32 $0x1  }
0xc2: {  	_ =	sfence.sel $0xFFFF  }
0xc3: {  	[dreg:$0x0] =	wrdreg $0xFFFFFFFF;
	(pc) =	sbr.abs _section_cstart, $3  }
0xc4: {  	[dreg:$0x1] =	wrdreg $0xFFFFFFFF  }
0xc5: {  	_ =	task.clear_ibuf [dreg:s9], $0x2FFFF;
	_ =	strace $0x9FFFFFFF  }
0xc6: {  	(tm) =	ssettm $0x7FFFFFFF  }
0xc7: {  	_ =	shalt  }
tec
execute0_lowered:
.L_overlay_start_1:
0x0: {  	(tag) =	ssettag $0x1  }
0x1: {  	s1 =	rddreg [dreg:$0x0]  }
0x2: {  	s13 =	rddreg [dreg:$0x1]  }
0x3: {  	s11 =	rddreg [dreg:$0x2]  }
0x4: {  	s2 =	srdreg.scid;
	s0 =	stileid.u32  }
0x5: {  	s14 =	rddreg [dreg:$0x3];
	s18 =	sand.u32 $0x1, s2;
	s4 =	sshll.u32 s0, $0x1  }
0x6: {  	s3 =	simm.s32 $0x0;
	s2 =	rddreg [dreg:$0x4];
	s12 =	sor.u32 s18, s4  }
0x7: {  	[smem:$0x7FF] =	sst s3;
	s15 =	sshll.u32 s12, $0x6  }
0x8: {  	_ =	strace $0x80000047;
	s4 =	simm.s32 $0x2;
	s5 =	sadd.s32 s13, s15  }
0x9: {  	[tilespmem:s3], [sflag:$0x2] =	stream.linear.gather [hbm4b:s5+s3], $0x80, $0x38;
	[tilespmem:$0x4080] =	vst v63  }
0xa: {  	_ =	swait.ge [sflag:s4], $0x80  }
0xb: {  	[sflag:s4] =	ssyncset.done $0x0  }
0xc: {  	s6 =	simm.s32 $0x80;
	s7 =	simm.s32 $0x1;
	[sflag:s4] =	ssyncadd.s32 $0xFFFFFF80  }
0xd: {  	[tilespmem:s6], [sflag:$0x1] =	stream.indirect.gather [hbm4b:s1+s6], $0x80, s3, s6, $0xb8;
	[tilespmem:$0x4080] =	vst v63  }
0xe: {  	_ =	swait.ge [sflag:s7], $0x4000  }
0xf: {  	s10 =	sadd.s32 $0x1000, s14;
	s16 =	sshll.u32 s12, $0xC;
	[sflag:s7] =	ssyncset.done $0x0  }
0x10: {  	s9 =	sshll.u32 s12, $0x8;
	s8 =	sadd.s32 s10, s16;
	[sflag:s7] =	ssyncadd.s32 $0xFFFFC000  }
0x11: {  	[hbm4b:s8+s3] =	stream.linear.scatter [tilespmem:s6], [sflag:$0x2], $0x4000, $0x38;
	[tilespmem:$0x4080] =	vst v63  }
0x12: {  	s17 =	sor.u32 $0x80, s9;
	_ =	swait.ge [sflag:s4], $0x4000  }
0x13: {  	s19 =	sshrl.u32 s17, $0x2;
	[sflag:s4] =	ssyncset.done $0x0  }
0x14: {  	s9 =	sadd.s32 s13, s19;
	[sflag:s4] =	ssyncadd.s32 $0xFFFFC000  }
0x15: {  	[tilespmem:s3], [sflag:$0x2] =	stream.linear.gather [hbm4b:s9+s3], $0x80, $0x38;
	[tilespmem:$0x4080] =	vst v63  }
0x16: {  	_ =	swait.ge [sflag:s4], $0x80  }
0x17: {  	[sflag:s4] =	ssyncset.done $0x0  }
0x18: {  	[sflag:s4] =	ssyncadd.s32 $0xFFFFFF80  }
0x19: {  	[tilespmem:s6], [sflag:$0x1] =	stream.indirect.gather [hbm4b:s1+s6], $0x80, s3, s6, $0xb8;
	[tilespmem:$0x4080] =	vst v63  }
0x1a: {  	_ =	swait.ge [sflag:s7], $0x4000  }
0x1b: {  	s17 =	sshll.u32 s17, $0x4;
	[sflag:s7] =	ssyncset.done $0x0  }
0x1c: {  	s10 =	sadd.s32 s10, s17;
	[sflag:s7] =	ssyncadd.s32 $0xFFFFC000  }
0x1d: {  	[hbm4b:s10+s3] =	stream.linear.scatter [tilespmem:s6], [sflag:$0x2], $0x4000, $0x38;
	[tilespmem:$0x4080] =	vst v63  }
0x1e: {  	_ =	swait.ge [sflag:s4], $0x4000  }
0x1f: {  	s20 =	sshll.u32 s12, $0x5;
	[sflag:s4] =	ssyncset.done $0x0  }
0x20: {  	s11 =	sadd.s32 s11, s20;
	[sflag:s4] =	ssyncadd.s32 $0xFFFFC000  }
0x21: {  	[tilespmem:s3], [sflag:$0x2] =	stream.linear.gather [hbm4b:s11+s3], $0x80, $0x38;
	[tilespmem:$0x4080] =	vst v63  }
0x22: {  	_ =	swait.ge [sflag:s4], $0x80  }
0x23: {  	[sflag:s4] =	ssyncset.done $0x0  }
0x24: {  	[sflag:s4] =	ssyncadd.s32 $0xFFFFFF80  }
0x25: {  	[tilespmem:s6], [sflag:$0x1] =	stream.indirect.gather [hbm4b:s1+s6], $0x80, s3, s6, $0xb8;
	[tilespmem:$0x4080] =	vst v63  }
0x26: {  	s12 =	sshll.u32 s12, $0xB;
	_ =	swait.ge [sflag:s7], $0x4000  }
0x27: {  	s30 =	sadd.s32 s12, s14;
	[sflag:s7] =	ssyncset.done $0x0  }
0x28: {  	s12 =	sadd.s32 $0x41000, s30;
	[sflag:s7] =	ssyncadd.s32 $0xFFFFC000  }
0x29: {  	[hbm4b:s12+s3] =	stream.linear.scatter [tilespmem:s6], [sflag:$0x2], $0x4000, $0x38;
	[tilespmem:$0x4080] =	vst v63  }
0x2a: {  	_ =	swait.ge [sflag:s4], $0x4000  }
0x2b: {  	s21 =	sadd.s32 $0x10, s13;
	[sflag:s4] =	ssyncset.done $0x0  }
0x2c: {  	s13 =	sadd.s32 s15, s21;
	[sflag:s4] =	ssyncadd.s32 $0xFFFFC000  }
0x2d: {  	[tilespmem:s3], [sflag:$0x2] =	stream.linear.gather [hbm4b:s13+s3], $0x80, $0x38;
	[tilespmem:$0x4080] =	vst v63  }
0x2e: {  	_ =	swait.ge [sflag:s4], $0x80  }
0x2f: {  	[sflag:s4] =	ssyncset.done $0x0  }
0x30: {  	[sflag:s4] =	ssyncadd.s32 $0xFFFFFF80  }
0x31: {  	[tilespmem:s6], [sflag:$0x1] =	stream.indirect.gather [hbm4b:s1+s6], $0x80, s3, s6, $0xb8;
	[tilespmem:$0x4080] =	vst v63  }
0x32: {  	_ =	swait.ge [sflag:s7], $0x4000  }
0x33: {  	s22 =	sadd.s32 $0x21000, s14;
	[sflag:s7] =	ssyncset.done $0x0  }
0x34: {  	s14 =	sadd.s32 s16, s22;
	[sflag:s7] =	ssyncadd.s32 $0xFFFFC000  }
0x35: {  	[hbm4b:s14+s3] =	stream.linear.scatter [tilespmem:s6], [sflag:$0x2], $0x4000, $0x38;
	[tilespmem:$0x4080] =	vst v63  }
0x36: {  	_ =	swait.ge [sflag:s4], $0x4000  }
0x37: {  	[sflag:s4] =	ssyncset.done $0x0  }
0x38: {  	s15 =	sadd.s32 s19, s21;
	[sflag:s4] =	ssyncadd.s32 $0xFFFFC000  }
0x39: {  	[tilespmem:s3], [sflag:$0x2] =	stream.linear.gather [hbm4b:s15+s3], $0x80, $0x38;
	[tilespmem:$0x4080] =	vst v63  }
0x3a: {  	_ =	swait.ge [sflag:s4], $0x80  }
0x3b: {  	[sflag:s4] =	ssyncset.done $0x0  }
0x3c: {  	[sflag:s4] =	ssyncadd.s32 $0xFFFFFF80  }
0x3d: {  	[tilespmem:s6], [sflag:$0x1] =	stream.indirect.gather [hbm4b:s1+s6], $0x80, s3, s6, $0xb8;
	[tilespmem:$0x4080] =	vst v63  }
0x3e: {  	_ =	swait.ge [sflag:s7], $0x4000  }
0x3f: {  	[sflag:s7] =	ssyncset.done $0x0  }
0x40: {  	s16 =	sadd.s32 s17, s22;
	[sflag:s7] =	ssyncadd.s32 $0xFFFFC000  }
0x41: {  	[hbm4b:s16+s3] =	stream.linear.scatter [tilespmem:s6], [sflag:$0x2], $0x4000, $0x38;
	[tilespmem:$0x4080] =	vst v63  }
0x42: {  	_ =	swait.ge [sflag:s4], $0x4000  }
0x43: {  	[sflag:s4] =	ssyncset.done $0x0  }
0x44: {  	s18 =	ssub.s32 $0x2, s18;
	s17 =	sadd.s32 $0x10, s11;
	[sflag:s4] =	ssyncadd.s32 $0xFFFFC000  }
0x45: {  	[tilespmem:s3], [sflag:$0x2] =	stream.linear.gather [hbm4b:s17+s3], $0x80, $0x38;
	[tilespmem:$0x4080] =	vst v63  }
0x46: {  	s31 =	sshrl.u32 s18, $0x1;
	_ =	swait.ge [sflag:s4], $0x80  }
0x47: {  	s19 =	ssub.s32 s18, s31;
	[sflag:s4] =	ssyncset.done $0x0  }
0x48: {  	s19 =	smax.u32 s19, $0x1;
	[sflag:s4] =	ssyncadd.s32 $0xFFFFFF80  }
0x49: {  	[tilespmem:s6], [sflag:$0x1] =	stream.indirect.gather [hbm4b:s1+s6], $0x80, s3, s6, $0xb8;
	[tilespmem:$0x4080] =	vst v63  }
0x4a: {  	p0 =	sne.s32 s19, $0x1;
	_ =	swait.ge [sflag:s7], $0x4000  }
.Ltmp0:
0x4b: {  	[sflag:s7] =	ssyncset.done $0x0;
	(pc) =	sbr.rel @!p0 .LBB2_2-.Ltmp0, $4  }
0x4c: {  	s18 =	sadd.s32 $0x51000, s30;
	[sflag:s7] =	ssyncadd.s32 $0xFFFFC000  }
0x4d: {  	[hbm4b:s18+s3] =	stream.linear.scatter [tilespmem:s6], [sflag:$0x2], $0x4000, $0x38;
	[tilespmem:$0x4080] =	vst v63  }
0x4e: {  	_ =	swait.ge [sflag:s4], $0x4000  }
0x4f: {  	s19 =	sadd.s32 $0xFFFFFFFF, s19;
	[sflag:s4] =	ssyncset.done $0x0  }
.LBB2_1:
0x50: {  	p0 =	sne.s32 s19, $0x1;
	s19 =	sadd.s32 $0xFFFFFFFF, s19;
	[sflag:s4] =	ssyncadd.s32 $0xFFFFC000  }
0x51: {  	[tilespmem:s3], [sflag:$0x2] =	stream.linear.gather [hbm4b:s5+s3], $0x80, $0x38;
	[tilespmem:$0x4080] =	vst v63  }
0x52: {  	_ =	swait.ge [sflag:s4], $0x80  }
0x53: {  	[sflag:s4] =	ssyncset.done $0x0  }
0x54: {  	[sflag:s4] =	ssyncadd.s32 $0xFFFFFF80  }
0x55: {  	[tilespmem:s6], [sflag:$0x1] =	stream.indirect.gather [hbm4b:s1+s6], $0x80, s3, s6, $0xb8;
	[tilespmem:$0x4080] =	vst v63  }
0x56: {  	_ =	swait.ge [sflag:s7], $0x4000  }
0x57: {  	[sflag:s7] =	ssyncset.done $0x0  }
0x58: {  	[sflag:s7] =	ssyncadd.s32 $0xFFFFC000  }
0x59: {  	[hbm4b:s8+s3] =	stream.linear.scatter [tilespmem:s6], [sflag:$0x2], $0x4000, $0x38;
	[tilespmem:$0x4080] =	vst v63  }
0x5a: {  	_ =	swait.ge [sflag:s4], $0x4000  }
0x5b: {  	[sflag:s4] =	ssyncset.done $0x0  }
0x5c: {  	[sflag:s4] =	ssyncadd.s32 $0xFFFFC000  }
0x5d: {  	[tilespmem:s3], [sflag:$0x2] =	stream.linear.gather [hbm4b:s9+s3], $0x80, $0x38;
	[tilespmem:$0x4080] =	vst v63  }
0x5e: {  	_ =	swait.ge [sflag:s4], $0x80  }
0x5f: {  	[sflag:s4] =	ssyncset.done $0x0  }
0x60: {  	[sflag:s4] =	ssyncadd.s32 $0xFFFFFF80  }
0x61: {  	[tilespmem:s6], [sflag:$0x1] =	stream.indirect.gather [hbm4b:s1+s6], $0x80, s3, s6, $0xb8;
	[tilespmem:$0x4080] =	vst v63  }
0x62: {  	_ =	swait.ge [sflag:s7], $0x4000  }
0x63: {  	[sflag:s7] =	ssyncset.done $0x0  }
0x64: {  	[sflag:s7] =	ssyncadd.s32 $0xFFFFC000  }
0x65: {  	[hbm4b:s10+s3] =	stream.linear.scatter [tilespmem:s6], [sflag:$0x2], $0x4000, $0x38;
	[tilespmem:$0x4080] =	vst v63  }
0x66: {  	_ =	swait.ge [sflag:s4], $0x4000  }
0x67: {  	[sflag:s4] =	ssyncset.done $0x0  }
0x68: {  	[sflag:s4] =	ssyncadd.s32 $0xFFFFC000  }
0x69: {  	[tilespmem:s3], [sflag:$0x2] =	stream.linear.gather [hbm4b:s11+s3], $0x80, $0x38;
	[tilespmem:$0x4080] =	vst v63  }
0x6a: {  	_ =	swait.ge [sflag:s4], $0x80  }
0x6b: {  	[sflag:s4] =	ssyncset.done $0x0  }
0x6c: {  	[sflag:s4] =	ssyncadd.s32 $0xFFFFFF80  }
0x6d: {  	[tilespmem:s6], [sflag:$0x1] =	stream.indirect.gather [hbm4b:s1+s6], $0x80, s3, s6, $0xb8;
	[tilespmem:$0x4080] =	vst v63  }
0x6e: {  	_ =	swait.ge [sflag:s7], $0x4000  }
0x6f: {  	[sflag:s7] =	ssyncset.done $0x0  }
0x70: {  	[sflag:s7] =	ssyncadd.s32 $0xFFFFC000  }
0x71: {  	[hbm4b:s12+s3] =	stream.linear.scatter [tilespmem:s6], [sflag:$0x2], $0x4000, $0x38;
	[tilespmem:$0x4080] =	vst v63  }
0x72: {  	_ =	swait.ge [sflag:s4], $0x4000  }
0x73: {  	[sflag:s4] =	ssyncset.done $0x0  }
0x74: {  	[sflag:s4] =	ssyncadd.s32 $0xFFFFC000  }
0x75: {  	[tilespmem:s3], [sflag:$0x2] =	stream.linear.gather [hbm4b:s13+s3], $0x80, $0x38;
	[tilespmem:$0x4080] =	vst v63  }
0x76: {  	_ =	swait.ge [sflag:s4], $0x80  }
0x77: {  	[sflag:s4] =	ssyncset.done $0x0  }
0x78: {  	[sflag:s4] =	ssyncadd.s32 $0xFFFFFF80  }
0x79: {  	[tilespmem:s6], [sflag:$0x1] =	stream.indirect.gather [hbm4b:s1+s6], $0x80, s3, s6, $0xb8;
	[tilespmem:$0x4080] =	vst v63  }
0x7a: {  	_ =	swait.ge [sflag:s7], $0x4000  }
0x7b: {  	[sflag:s7] =	ssyncset.done $0x0  }
0x7c: {  	[sflag:s7] =	ssyncadd.s32 $0xFFFFC000  }
0x7d: {  	[hbm4b:s14+s3] =	stream.linear.scatter [tilespmem:s6], [sflag:$0x2], $0x4000, $0x38;
	[tilespmem:$0x4080] =	vst v63  }
0x7e: {  	_ =	swait.ge [sflag:s4], $0x4000  }
0x7f: {  	[sflag:s4] =	ssyncset.done $0x0  }
0x80: {  	[sflag:s4] =	ssyncadd.s32 $0xFFFFC000  }
0x81: {  	[tilespmem:s3], [sflag:$0x2] =	stream.linear.gather [hbm4b:s15+s3], $0x80, $0x38;
	[tilespmem:$0x4080] =	vst v63  }
0x82: {  	_ =	swait.ge [sflag:s4], $0x80  }
0x83: {  	[sflag:s4] =	ssyncset.done $0x0  }
0x84: {  	[sflag:s4] =	ssyncadd.s32 $0xFFFFFF80  }
0x85: {  	[tilespmem:s6], [sflag:$0x1] =	stream.indirect.gather [hbm4b:s1+s6], $0x80, s3, s6, $0xb8;
	[tilespmem:$0x4080] =	vst v63  }
0x86: {  	_ =	swait.ge [sflag:s7], $0x4000  }
0x87: {  	[sflag:s7] =	ssyncset.done $0x0  }
0x88: {  	[sflag:s7] =	ssyncadd.s32 $0xFFFFC000  }
0x89: {  	[hbm4b:s16+s3] =	stream.linear.scatter [tilespmem:s6], [sflag:$0x2], $0x4000, $0x38;
	[tilespmem:$0x4080] =	vst v63  }
0x8a: {  	_ =	swait.ge [sflag:s4], $0x4000  }
0x8b: {  	[sflag:s4] =	ssyncset.done $0x0  }
0x8c: {  	[sflag:s4] =	ssyncadd.s32 $0xFFFFC000  }
0x8d: {  	[tilespmem:s3], [sflag:$0x2] =	stream.linear.gather [hbm4b:s17+s3], $0x80, $0x38;
	[tilespmem:$0x4080] =	vst v63  }
0x8e: {  	_ =	swait.ge [sflag:s4], $0x80  }
0x8f: {  	[sflag:s4] =	ssyncset.done $0x0  }
0x90: {  	[sflag:s4] =	ssyncadd.s32 $0xFFFFFF80  }
0x91: {  	[tilespmem:s6], [sflag:$0x1] =	stream.indirect.gather [hbm4b:s1+s6], $0x80, s3, s6, $0xb8;
	[tilespmem:$0x4080] =	vst v63  }
0x92: {  	_ =	swait.ge [sflag:s7], $0x4000  }
.Ltmp1:
0x93: {  	[sflag:s7] =	ssyncset.done $0x0;
	(pc) =	sbr.rel @p0 .LBB2_1-.Ltmp1, $4  }
0x94: {  	[sflag:s7] =	ssyncadd.s32 $0xFFFFC000  }
0x95: {  	[hbm4b:s18+s3] =	stream.linear.scatter [tilespmem:s6], [sflag:$0x2], $0x4000, $0x38;
	[tilespmem:$0x4080] =	vst v63  }
0x96: {  	_ =	swait.ge [sflag:s4], $0x4000  }
0x97: {  	[sflag:s4] =	ssyncset.done $0x0  }
.LBB2_2:
0x98: {  	[sflag:s4] =	ssyncadd.s32 $0xFFFFC000  }
0x99: {  	_ =	sfence.sel $0x180000  }
0x9a: {  	[bflag:$0x0] =	sbarrier.arrive $0xFFFF  }
0x9b: {  	p0 =	sne.s32 s0, $0x0;
	_ =	strace $0x90000047  }
0x9c: {  	s0 =	sadd.s32 @!p0 $0x100000, s2;
	[bflag:$0x2] =	sbarrier.arrive $0xFFFF  }
0x9d: {  	[sflag:s0] =	ssyncadd.tile.s32 @!p0 $0x1;
	_ =	shalt  }
.Lfunc_end2:
_tile_overlayer_lowered:
.L_overlay_start_2:
0x9e: {  	(tag) =	ssettag $0x2  }
0x9f: {  	s0 =	rddreg [dreg:$0x0];
	s2 =	stileid.u32  }
0xa0: {  	s1 =	rddreg [dreg:$0x1];
	p0 =	sne.s32 s2, $0x0  }
0xa1: {  	s3 =	rddreg [dreg:$0x2];
	[bflag:$0x3] =	sbarrier.arrive $0xFFFF;
	s2 =	simm.s32 @!p0 $0x1C02  }
0xa2: {  	[timem:s3], [sflag:s2] =	dma.local @!p0 [hbm:s0], s1  }
0xa3: {  	s0 =	simm.s32 @!p0 $0x2  }
0xa4: {  	_ =	swait.ge @!p0 [sflag:s0], s1  }
0xa5: {  	s1 =	ssub.s32 @!p0 $0x0, s1;
	[sflag:s0] =	ssyncset.done @!p0 $0x0  }
0xa6: {  	[sflag:s0] =	ssyncadd.s32 @!p0 s1  }
0xa7: {  	[bflag:$0x3] =	sbarrier.arrive $0xFFFF  }
0xa8: {  	_ =	shalt  }

</sc_bundles>
